<compile_context>
chip_gen: v7x
topology: tpu7x:2x2x1
jax: 0.10.2.dev20260603
libtpu: 0.0.44.dev20260713+nightly
codegen_flags: <defaults>
</compile_context>

<pallas_src>
import jax
import jax.numpy as jnp
from jax import lax
from jax.experimental import pallas as pl
from jax.experimental.pallas import tpu as pltpu
from jax.experimental.pallas import tpu_sc as plsc

NC = 2
NS = 16
L = 16
NW = NC * NS

B = 16384
F = 128
ROWS_PER_W = B // NW
CHUNK = 128
NCHUNK = ROWS_PER_W // CHUNK
GROUPS = CHUNK // L
VIEW_COLS = CHUNK
VROWS_PER_W = ROWS_PER_W // VIEW_COLS


def _mf_body(user_hbm, item_hbm, ut_hbm, it_hbm, w_hbm, b_hbm, out_hbm,
             uidx, iidx, ubuf0, ubuf1, vbuf0, vbuf1, outv, wv, bv, pacc,
             usem0, usem1, vsem0, vsem1):
    wid = lax.axis_index("s") * NC + lax.axis_index("c")
    base = wid * VROWS_PER_W

    pltpu.sync_copy(user_hbm.at[pl.ds(base, VROWS_PER_W)], uidx)
    pltpu.sync_copy(item_hbm.at[pl.ds(base, VROWS_PER_W)], iidx)
    pltpu.sync_copy(w_hbm, wv)
    pltpu.sync_copy(b_hbm, bv)

    ubufs = (ubuf0, ubuf1)
    vbufs = (vbuf0, vbuf1)
    usems = (usem0, usem1)
    vsems = (vsem0, vsem1)

    def gather(j, slot):
        pltpu.make_async_copy(ut_hbm.at[uidx.at[j]], ubufs[slot], usems[slot]).start()
        pltpu.make_async_copy(it_hbm.at[iidx.at[j]], vbufs[slot], vsems[slot]).start()

    def wait(j, slot):
        pltpu.make_async_copy(ut_hbm.at[uidx.at[j]], ubufs[slot], usems[slot]).wait()
        pltpu.make_async_copy(it_hbm.at[iidx.at[j]], vbufs[slot], vsems[slot]).wait()

    lane = lax.broadcasted_iota(jnp.int32, (L,), 0)
    bias = bv[...]
    wregs = [wv[pl.ds(c * L, L)] for c in range(F // L)]

    gather(0, 0)
    for j in range(NCHUNK):
        slot = j % 2
        if j + 1 < NCHUNK:
            gather(j + 1, 1 - slot)
        wait(j, slot)
        ub = ubufs[slot]
        vb = vbufs[slot]

        @plsc.parallel_loop(0, CHUNK, unroll=1)
        def r_body(r):
            acc = ub[r, pl.ds(0, L)] * vb[r, pl.ds(0, L)] * wregs[0]
            for c in range(1, F // L):
                cu = ub[r, pl.ds(c * L, L)]
                cv = vb[r, pl.ds(c * L, L)]
                acc = acc + cu * cv * wregs[c]
            pacc[r, pl.ds(0, L)] = acc

        jrow = j

        @plsc.parallel_loop(0, GROUPS, unroll=1)
        def g_body(g):
            rows = lane + g * L
            cols = [plsc.load_gather(pacc, [rows, jnp.full((L,), l, dtype=jnp.int32)])
                    for l in range(L)]
            while len(cols) > 1:
                cols = [cols[i] + cols[i + 1] for i in range(0, len(cols), 2)]
            outv[jrow, pl.ds(g * L, L)] = cols[0] + bias

    pltpu.sync_copy(outv, out_hbm.at[pl.ds(base, VROWS_PER_W)])


@jax.jit
def _mf(user2d, item2d, user_table, item_table, w_flat, b16):
    kern = pl.kernel(
        _mf_body,
        out_type=jax.ShapeDtypeStruct((B // VIEW_COLS, VIEW_COLS), jnp.float32),
        mesh=plsc.VectorSubcoreMesh(
            core_axis_name="c", subcore_axis_name="s",
            num_cores=NC, num_subcores=NS),
        scratch_types=[
            pltpu.VMEM((VROWS_PER_W, VIEW_COLS), jnp.int32),
            pltpu.VMEM((VROWS_PER_W, VIEW_COLS), jnp.int32),
            pltpu.VMEM((CHUNK, F), jnp.float32),
            pltpu.VMEM((CHUNK, F), jnp.float32),
            pltpu.VMEM((CHUNK, F), jnp.float32),
            pltpu.VMEM((CHUNK, F), jnp.float32),
            pltpu.VMEM((VROWS_PER_W, VIEW_COLS), jnp.float32),
            pltpu.VMEM((F,), jnp.float32),
            pltpu.VMEM((L,), jnp.float32),
            pltpu.VMEM((CHUNK, L), jnp.float32),
            pltpu.SemaphoreType.DMA,
            pltpu.SemaphoreType.DMA,
            pltpu.SemaphoreType.DMA,
            pltpu.SemaphoreType.DMA,
        ],
        compiler_params=pltpu.CompilerParams(needs_layout_passes=False),
    )
    return kern(user2d, item2d, user_table, item_table, w_flat, b16)


def kernel(user, item, user_table, item_table, W, b):
    user2d = user.astype(jnp.int32).reshape(B // VIEW_COLS, VIEW_COLS)
    item2d = item.astype(jnp.int32).reshape(B // VIEW_COLS, VIEW_COLS)
    w_flat = W.reshape(F)
    b16 = jnp.broadcast_to(b.astype(jnp.float32), (L,))
    out = _mf(user2d, item2d, user_table, item_table, w_flat, b16)
    return out.reshape(-1)

# --- scband reference (transcript-rebuilt; emitter-appended) ---
"""Pipeline reference for scband-mf-17617955848553 (READ-ONLY COPY).

The authoritative reference and input builder live on the scoring server;
editing this copy changes nothing except your own understanding.
"""

import jax, jax.numpy as jnp
import numpy as np

USER_NUM = 100000
ITEM_NUM = 1000000
FACTOR = 128
BATCH = 16384

def setup_inputs(seed: int = 0) -> dict:
    key = jax.random.key(seed)
    k1, k2, k3, k4, k5 = jax.random.split(key, 5)
    user = jax.random.randint(k1, (BATCH,), 0, USER_NUM, dtype=jnp.int64) if jax.config.jax_enable_x64 else jax.random.randint(k1, (BATCH,), 0, USER_NUM, dtype=jnp.int32)
    item = jax.random.randint(k2, (BATCH,), 0, ITEM_NUM, dtype=jnp.int32)
    # parameters (matching _init_weight_: normal std=0.01 embeddings, linear default + zero bias)
    user_table = jax.random.normal(k3, (USER_NUM, FACTOR), dtype=jnp.float32) * 0.01
    item_table = jax.random.normal(k4, (ITEM_NUM, FACTOR), dtype=jnp.float32) * 0.01
    bound = 1.0 / np.sqrt(FACTOR)
    W = jax.random.uniform(k5, (FACTOR, 1), dtype=jnp.float32, minval=-bound, maxval=bound)
    b = jnp.zeros((1,), dtype=jnp.float32)
    return {"user": user, "item": item, "user_table": user_table, "item_table": item_table, "W": W, "b": b}

def reference(user, item, user_table, item_table, W, b):
    embed_user = jnp.take(user_table, user, axis=0)            # [B, F] gather
    embed_item = jnp.take(item_table, item, axis=0)            # [B, F] gather
    output_gmf = embed_user * embed_item                        # [B, F]
    prediction = output_gmf @ W + b                             # [B, 1]
    return prediction.reshape(-1)                               # [B]

if __name__ == "__main__":
    import jax
    _d = setup_inputs()
    print(jax.jit(kernel)(*tuple(_d.values())))

</pallas_src>

<mosaic_0001>
#map = affine_map<(d0, d1) -> (0, 0)>
#map1 = affine_map<(d0, d1) -> (0)>
module attributes {stable_mosaic.version = 14 : i64} {
  func.func @_mf_body(%arg0: i32, %arg1: i32, %arg2: memref<128x128xi32, #tpu.memory_space<hbm>>, %arg3: memref<128x128xi32, #tpu.memory_space<hbm>>, %arg4: memref<100000x128xf32, #tpu.memory_space<hbm>>, %arg5: memref<1000000x128xf32, #tpu.memory_space<hbm>>, %arg6: memref<128xf32, #tpu.memory_space<hbm>>, %arg7: memref<16xf32, #tpu.memory_space<hbm>>, %arg8: memref<128x128xf32, #tpu.memory_space<hbm>>, %arg9: memref<4x128xi32, #tpu.memory_space<vmem>>, %arg10: memref<4x128xi32, #tpu.memory_space<vmem>>, %arg11: memref<128x128xf32, #tpu.memory_space<vmem>>, %arg12: memref<128x128xf32, #tpu.memory_space<vmem>>, %arg13: memref<128x128xf32, #tpu.memory_space<vmem>>, %arg14: memref<128x128xf32, #tpu.memory_space<vmem>>, %arg15: memref<4x128xf32, #tpu.memory_space<vmem>>, %arg16: memref<128xf32, #tpu.memory_space<vmem>>, %arg17: memref<16xf32, #tpu.memory_space<vmem>>, %arg18: memref<128x16xf32, #tpu.memory_space<vmem>>, %arg19: memref<!tpu.dma_semaphore, #tpu.memory_space<semaphore_mem>>, %arg20: memref<!tpu.dma_semaphore, #tpu.memory_space<semaphore_mem>>, %arg21: memref<!tpu.dma_semaphore, #tpu.memory_space<semaphore_mem>>, %arg22: memref<!tpu.dma_semaphore, #tpu.memory_space<semaphore_mem>>) attributes {dimension_semantics = [#tpu.dimension_semantics<core_parallel>, #tpu.dimension_semantics<subcore_parallel>], iteration_bounds = array<i64: 2, 16>, scalar_prefetch = 0 : i64, scratch_operands = 14 : i64, tpu.core_type = #tpu.core_type<sc_vector_subcore>, window_params = [{transform_indices = #map}, {transform_indices = #map}, {transform_indices = #map}, {transform_indices = #map}, {transform_indices = #map1}, {transform_indices = #map1}, {transform_indices = #map}]} {
    %mul3A = arith.constant 2 : i32
    %mul3A_0 = arith.muli %arg1, %mul3A : i32
    %add3A = arith.addi %mul3A_0, %arg0 : i32
    %mul3A_1 = arith.constant 4 : i32
    %mul3A_2 = arith.muli %add3A, %mul3A_1 : i32
    "tpu.region"() ({
      %run_scoped3A = tpu.sem_alloc : memref<!tpu.dma_semaphore, #tpu.memory_space<semaphore_mem>>
      %dma_start3A_153 = arith.constant 0 : i32
      %dma_start3A_154 = tpu.memref_slice %arg2[%mul3A_2, %dma_start3A_153] : memref<128x128xi32, #tpu.memory_space<hbm>> -> memref<4x128xi32, #tpu.memory_space<hbm>>
      %dma_start3A_155 = arith.constant 0 : i32
      %dma_start3A_156 = tpu.memref_slice %arg2[%mul3A_2, %dma_start3A_155] : memref<128x128xi32, #tpu.memory_space<hbm>> -> memref<4x128xi32, #tpu.memory_space<hbm>>
      tpu.enqueue_dma source(%dma_start3A_156 : memref<4x128xi32, #tpu.memory_space<hbm>>) target(%arg9 : memref<4x128xi32, #tpu.memory_space<vmem>>) target_semaphore(%run_scoped3A : memref<!tpu.dma_semaphore, #tpu.memory_space<semaphore_mem>>)
      %dma_wait3A_157 = arith.constant 0 : i32
      %dma_wait3A_158 = tpu.memref_slice %arg2[%mul3A_2, %dma_wait3A_157] : memref<128x128xi32, #tpu.memory_space<hbm>> -> memref<4x128xi32, #tpu.memory_space<hbm>>
      %dma_wait3A_159 = arith.constant 0 : i32
      %dma_wait3A_160 = tpu.memref_slice %arg2[%mul3A_2, %dma_wait3A_159] : memref<128x128xi32, #tpu.memory_space<hbm>> -> memref<4x128xi32, #tpu.memory_space<hbm>>
      tpu.wait_dma2 semaphore(%run_scoped3A : memref<!tpu.dma_semaphore, #tpu.memory_space<semaphore_mem>>) src(%dma_wait3A_160 : memref<4x128xi32, #tpu.memory_space<hbm>>) dst(%arg9 : memref<4x128xi32, #tpu.memory_space<vmem>>)
      tpu.yield
    }) : () -> ()
    "tpu.region"() ({
      %run_scoped3A = tpu.sem_alloc : memref<!tpu.dma_semaphore, #tpu.memory_space<semaphore_mem>>
      %dma_start3A_153 = arith.constant 0 : i32
      %dma_start3A_154 = tpu.memref_slice %arg3[%mul3A_2, %dma_start3A_153] : memref<128x128xi32, #tpu.memory_space<hbm>> -> memref<4x128xi32, #tpu.memory_space<hbm>>
      %dma_start3A_155 = arith.constant 0 : i32
      %dma_start3A_156 = tpu.memref_slice %arg3[%mul3A_2, %dma_start3A_155] : memref<128x128xi32, #tpu.memory_space<hbm>> -> memref<4x128xi32, #tpu.memory_space<hbm>>
      tpu.enqueue_dma source(%dma_start3A_156 : memref<4x128xi32, #tpu.memory_space<hbm>>) target(%arg10 : memref<4x128xi32, #tpu.memory_space<vmem>>) target_semaphore(%run_scoped3A : memref<!tpu.dma_semaphore, #tpu.memory_space<semaphore_mem>>)
      %dma_wait3A_157 = arith.constant 0 : i32
      %dma_wait3A_158 = tpu.memref_slice %arg3[%mul3A_2, %dma_wait3A_157] : memref<128x128xi32, #tpu.memory_space<hbm>> -> memref<4x128xi32, #tpu.memory_space<hbm>>
      %dma_wait3A_159 = arith.constant 0 : i32
      %dma_wait3A_160 = tpu.memref_slice %arg3[%mul3A_2, %dma_wait3A_159] : memref<128x128xi32, #tpu.memory_space<hbm>> -> memref<4x128xi32, #tpu.memory_space<hbm>>
      tpu.wait_dma2 semaphore(%run_scoped3A : memref<!tpu.dma_semaphore, #tpu.memory_space<semaphore_mem>>) src(%dma_wait3A_160 : memref<4x128xi32, #tpu.memory_space<hbm>>) dst(%arg10 : memref<4x128xi32, #tpu.memory_space<vmem>>)
      tpu.yield
    }) : () -> ()
    "tpu.region"() ({
      %run_scoped3A = tpu.sem_alloc : memref<!tpu.dma_semaphore, #tpu.memory_space<semaphore_mem>>
      tpu.enqueue_dma source(%arg6 : memref<128xf32, #tpu.memory_space<hbm>>) target(%arg16 : memref<128xf32, #tpu.memory_space<vmem>>) target_semaphore(%run_scoped3A : memref<!tpu.dma_semaphore, #tpu.memory_space<semaphore_mem>>)
      tpu.wait_dma2 semaphore(%run_scoped3A : memref<!tpu.dma_semaphore, #tpu.memory_space<semaphore_mem>>) src(%arg6 : memref<128xf32, #tpu.memory_space<hbm>>) dst(%arg16 : memref<128xf32, #tpu.memory_space<vmem>>)
      tpu.yield
    }) : () -> ()
    "tpu.region"() ({
      %run_scoped3A = tpu.sem_alloc : memref<!tpu.dma_semaphore, #tpu.memory_space<semaphore_mem>>
      tpu.enqueue_dma source(%arg7 : memref<16xf32, #tpu.memory_space<hbm>>) target(%arg17 : memref<16xf32, #tpu.memory_space<vmem>>) target_semaphore(%run_scoped3A : memref<!tpu.dma_semaphore, #tpu.memory_space<semaphore_mem>>)
      tpu.wait_dma2 semaphore(%run_scoped3A : memref<!tpu.dma_semaphore, #tpu.memory_space<semaphore_mem>>) src(%arg7 : memref<16xf32, #tpu.memory_space<hbm>>) dst(%arg17 : memref<16xf32, #tpu.memory_space<vmem>>)
      tpu.yield
    }) : () -> ()
    %iota3A = tpu.iota {dimensions = array<i32: 0>} : vector<16xi32>
    %get3A = arith.constant 0 : index
    %get3A_3 = tpu.vector_load %arg17[%get3A] {strides = array<i32>} : memref<16xf32, #tpu.memory_space<vmem>>, vector<16xf32>,
    %get3A_4 = arith.constant 0 : index
    %get3A_5 = tpu.vector_load %arg16[%get3A_4] {strides = array<i32>} : memref<128xf32, #tpu.memory_space<vmem>>, vector<16xf32>,
    %get3A_6 = arith.constant 16 : index
    %get3A_7 = tpu.vector_load %arg16[%get3A_6] {strides = array<i32>} : memref<128xf32, #tpu.memory_space<vmem>>, vector<16xf32>,
    %get3A_8 = arith.constant 32 : index
    %get3A_9 = tpu.vector_load %arg16[%get3A_8] {strides = array<i32>} : memref<128xf32, #tpu.memory_space<vmem>>, vector<16xf32>,
    %get3A_10 = arith.constant 48 : index
    %get3A_11 = tpu.vector_load %arg16[%get3A_10] {strides = array<i32>} : memref<128xf32, #tpu.memory_space<vmem>>, vector<16xf32>,
    %get3A_12 = arith.constant 64 : index
    %get3A_13 = tpu.vector_load %arg16[%get3A_12] {strides = array<i32>} : memref<128xf32, #tpu.memory_space<vmem>>, vector<16xf32>,
    %get3A_14 = arith.constant 80 : index
    %get3A_15 = tpu.vector_load %arg16[%get3A_14] {strides = array<i32>} : memref<128xf32, #tpu.memory_space<vmem>>, vector<16xf32>,
    %get3A_16 = arith.constant 96 : index
    %get3A_17 = tpu.vector_load %arg16[%get3A_16] {strides = array<i32>} : memref<128xf32, #tpu.memory_space<vmem>>, vector<16xf32>,
    %get3A_18 = arith.constant 112 : index
    %get3A_19 = tpu.vector_load %arg16[%get3A_18] {strides = array<i32>} : memref<128xf32, #tpu.memory_space<vmem>>, vector<16xf32>,
    %dma_start3A = arith.constant 0 : i32
    %dma_start3A_20 = arith.constant 0 : i32
    %dma_start3A_21 = tpu.memref_slice %arg9[%dma_start3A, %dma_start3A_20] : memref<4x128xi32, #tpu.memory_space<vmem>> -> memref<1x128xi32, #tpu.memory_space<vmem>>
    %dma_start3A_22 = tpu.memref_squeeze %dma_start3A_21 : memref<1x128xi32, #tpu.memory_space<vmem>> -> memref<128xi32, #tpu.memory_space<vmem>>
    %dma_start3A_23 = arith.constant 0 : i32
    %dma_start3A_24 = arith.constant 0 : i32
    %dma_start3A_25 = tpu.memref_slice %arg4[%dma_start3A_23, %dma_start3A_24] : memref<100000x128xf32, #tpu.memory_space<hbm>> -> memref<100000x128xf32, #tpu.memory_space<hbm>>
    tpu.enqueue_indirect_dma source(%dma_start3A_25 : memref<100000x128xf32, #tpu.memory_space<hbm>>) target(%arg11 : memref<128x128xf32, #tpu.memory_space<vmem>>) offsets(%dma_start3A_22 : memref<128xi32, #tpu.memory_space<vmem>>) semaphore(%arg19 : memref<!tpu.dma_semaphore, #tpu.memory_space<semaphore_mem>>)
    %dma_start3A_26 = arith.constant 0 : i32
    %dma_start3A_27 = arith.constant 0 : i32
    %dma_start3A_28 = tpu.memref_slice %arg10[%dma_start3A_26, %dma_start3A_27] : memref<4x128xi32, #tpu.memory_space<vmem>> -> memref<1x128xi32, #tpu.memory_space<vmem>>
    %dma_start3A_29 = tpu.memref_squeeze %dma_start3A_28 : memref<1x128xi32, #tpu.memory_space<vmem>> -> memref<128xi32, #tpu.memory_space<vmem>>
    %dma_start3A_30 = arith.constant 0 : i32
    %dma_start3A_31 = arith.constant 0 : i32
    %dma_start3A_32 = tpu.memref_slice %arg5[%dma_start3A_30, %dma_start3A_31] : memref<1000000x128xf32, #tpu.memory_space<hbm>> -> memref<1000000x128xf32, #tpu.memory_space<hbm>>
    tpu.enqueue_indirect_dma source(%dma_start3A_32 : memref<1000000x128xf32, #tpu.memory_space<hbm>>) target(%arg13 : memref<128x128xf32, #tpu.memory_space<vmem>>) offsets(%dma_start3A_29 : memref<128xi32, #tpu.memory_space<vmem>>) semaphore(%arg21 : memref<!tpu.dma_semaphore, #tpu.memory_space<semaphore_mem>>)
    %dma_start3A_33 = arith.constant 1 : i32
    %dma_start3A_34 = arith.constant 0 : i32
    %dma_start3A_35 = tpu.memref_slice %arg9[%dma_start3A_33, %dma_start3A_34] : memref<4x128xi32, #tpu.memory_space<vmem>> -> memref<1x128xi32, #tpu.memory_space<vmem>>
    %dma_start3A_36 = tpu.memref_squeeze %dma_start3A_35 : memref<1x128xi32, #tpu.memory_space<vmem>> -> memref<128xi32, #tpu.memory_space<vmem>>
    %dma_start3A_37 = arith.constant 0 : i32
    %dma_start3A_38 = arith.constant 0 : i32
    %dma_start3A_39 = tpu.memref_slice %arg4[%dma_start3A_37, %dma_start3A_38] : memref<100000x128xf32, #tpu.memory_space<hbm>> -> memref<100000x128xf32, #tpu.memory_space<hbm>>
    tpu.enqueue_indirect_dma source(%dma_start3A_39 : memref<100000x128xf32, #tpu.memory_space<hbm>>) target(%arg12 : memref<128x128xf32, #tpu.memory_space<vmem>>) offsets(%dma_start3A_36 : memref<128xi32, #tpu.memory_space<vmem>>) semaphore(%arg20 : memref<!tpu.dma_semaphore, #tpu.memory_space<semaphore_mem>>)
    %dma_start3A_40 = arith.constant 1 : i32
    %dma_start3A_41 = arith.constant 0 : i32
    %dma_start3A_42 = tpu.memref_slice %arg10[%dma_start3A_40, %dma_start3A_41] : memref<4x128xi32, #tpu.memory_space<vmem>> -> memref<1x128xi32, #tpu.memory_space<vmem>>
    %dma_start3A_43 = tpu.memref_squeeze %dma_start3A_42 : memref<1x128xi32, #tpu.memory_space<vmem>> -> memref<128xi32, #tpu.memory_space<vmem>>
    %dma_start3A_44 = arith.constant 0 : i32
    %dma_start3A_45 = arith.constant 0 : i32
    %dma_start3A_46 = tpu.memref_slice %arg5[%dma_start3A_44, %dma_start3A_45] : memref<1000000x128xf32, #tpu.memory_space<hbm>> -> memref<1000000x128xf32, #tpu.memory_space<hbm>>
    tpu.enqueue_indirect_dma source(%dma_start3A_46 : memref<1000000x128xf32, #tpu.memory_space<hbm>>) target(%arg14 : memref<128x128xf32, #tpu.memory_space<vmem>>) offsets(%dma_start3A_43 : memref<128xi32, #tpu.memory_space<vmem>>) semaphore(%arg22 : memref<!tpu.dma_semaphore, #tpu.memory_space<semaphore_mem>>)
    %dma_wait3A = arith.constant 0 : i32
    %dma_wait3A_47 = arith.constant 0 : i32
    %dma_wait3A_48 = tpu.memref_slice %arg9[%dma_wait3A, %dma_wait3A_47] : memref<4x128xi32, #tpu.memory_space<vmem>> -> memref<1x128xi32, #tpu.memory_space<vmem>>
    %dma_wait3A_49 = tpu.memref_squeeze %dma_wait3A_48 : memref<1x128xi32, #tpu.memory_space<vmem>> -> memref<128xi32, #tpu.memory_space<vmem>>
    %dma_wait3A_50 = arith.constant 0 : i32
    %dma_wait3A_51 = arith.constant 0 : i32
    %dma_wait3A_52 = tpu.memref_slice %arg4[%dma_wait3A_50, %dma_wait3A_51] : memref<100000x128xf32, #tpu.memory_space<hbm>> -> memref<100000x128xf32, #tpu.memory_space<hbm>>
    tpu.wait_indirect_dma semaphore(%arg19 : memref<!tpu.dma_semaphore, #tpu.memory_space<semaphore_mem>>) src(%dma_wait3A_52 : memref<100000x128xf32, #tpu.memory_space<hbm>>) dst(%arg11 : memref<128x128xf32, #tpu.memory_space<vmem>>)
    %dma_wait3A_53 = arith.constant 0 : i32
    %dma_wait3A_54 = arith.constant 0 : i32
    %dma_wait3A_55 = tpu.memref_slice %arg10[%dma_wait3A_53, %dma_wait3A_54] : memref<4x128xi32, #tpu.memory_space<vmem>> -> memref<1x128xi32, #tpu.memory_space<vmem>>
    %dma_wait3A_56 = tpu.memref_squeeze %dma_wait3A_55 : memref<1x128xi32, #tpu.memory_space<vmem>> -> memref<128xi32, #tpu.memory_space<vmem>>
    %dma_wait3A_57 = arith.constant 0 : i32
    %dma_wait3A_58 = arith.constant 0 : i32
    %dma_wait3A_59 = tpu.memref_slice %arg5[%dma_wait3A_57, %dma_wait3A_58] : memref<1000000x128xf32, #tpu.memory_space<hbm>> -> memref<1000000x128xf32, #tpu.memory_space<hbm>>
    tpu.wait_indirect_dma semaphore(%arg21 : memref<!tpu.dma_semaphore, #tpu.memory_space<semaphore_mem>>) src(%dma_wait3A_59 : memref<1000000x128xf32, #tpu.memory_space<hbm>>) dst(%arg13 : memref<128x128xf32, #tpu.memory_space<vmem>>)
    %parallel_loop3A = arith.constant 0 : i32
    %parallel_loop3A_60 = arith.constant 128 : i32
    %parallel_loop3A_61 = arith.constant 1 : i32
    scf.for %parallel_loop3A_153 = %parallel_loop3A to %parallel_loop3A_60 step %parallel_loop3A_61  : i32 {
      %parallel_loop3A_154 = arith.index_cast %parallel_loop3A_153 : i32 to index
      %parallel_loop3A_155 = arith.constant 0 : index
      %parallel_loop3A_156 = tpu.vector_load %arg11[%parallel_loop3A_154, %parallel_loop3A_155] {strides = array<i32>} : memref<128x128xf32, #tpu.memory_space<vmem>>, vector<16xf32>,
      %parallel_loop3A_157 = arith.index_cast %parallel_loop3A_153 : i32 to index
      %parallel_loop3A_158 = arith.constant 0 : index
      %parallel_loop3A_159 = tpu.vector_load %arg13[%parallel_loop3A_157, %parallel_loop3A_158] {strides = array<i32>} : memref<128x128xf32, #tpu.memory_space<vmem>>, vector<16xf32>,
      %parallel_loop3A_160 = arith.mulf %parallel_loop3A_156, %parallel_loop3A_159 : vector<16xf32>
      %parallel_loop3A_161 = arith.mulf %parallel_loop3A_160, %get3A_5 : vector<16xf32>
      %parallel_loop3A_162 = arith.index_cast %parallel_loop3A_153 : i32 to index
      %parallel_loop3A_163 = arith.constant 16 : index
      %parallel_loop3A_164 = tpu.vector_load %arg11[%parallel_loop3A_162, %parallel_loop3A_163] {strides = array<i32>} : memref<128x128xf32, #tpu.memory_space<vmem>>, vector<16xf32>,
      %parallel_loop3A_165 = arith.index_cast %parallel_loop3A_153 : i32 to index
      %parallel_loop3A_166 = arith.constant 16 : index
      %parallel_loop3A_167 = tpu.vector_load %arg13[%parallel_loop3A_165, %parallel_loop3A_166] {strides = array<i32>} : memref<128x128xf32, #tpu.memory_space<vmem>>, vector<16xf32>,
      %parallel_loop3A_168 = arith.mulf %parallel_loop3A_164, %parallel_loop3A_167 : vector<16xf32>
      %parallel_loop3A_169 = arith.mulf %parallel_loop3A_168, %get3A_7 : vector<16xf32>
      %parallel_loop3A_170 = arith.addf %parallel_loop3A_161, %parallel_loop3A_169 : vector<16xf32>
      %parallel_loop3A_171 = arith.index_cast %parallel_loop3A_153 : i32 to index
      %parallel_loop3A_172 = arith.constant 32 : index
      %parallel_loop3A_173 = tpu.vector_load %arg11[%parallel_loop3A_171, %parallel_loop3A_172] {strides = array<i32>} : memref<128x128xf32, #tpu.memory_space<vmem>>, vector<16xf32>,
      %parallel_loop3A_174 = arith.index_cast %parallel_loop3A_153 : i32 to index
      %parallel_loop3A_175 = arith.constant 32 : index
      %parallel_loop3A_176 = tpu.vector_load %arg13[%parallel_loop3A_174, %parallel_loop3A_175] {strides = array<i32>} : memref<128x128xf32, #tpu.memory_space<vmem>>, vector<16xf32>,
      %parallel_loop3A_177 = arith.mulf %parallel_loop3A_173, %parallel_loop3A_176 : vector<16xf32>
      %parallel_loop3A_178 = arith.mulf %parallel_loop3A_177, %get3A_9 : vector<16xf32>
      %parallel_loop3A_179 = arith.addf %parallel_loop3A_170, %parallel_loop3A_178 : vector<16xf32>
      %parallel_loop3A_180 = arith.index_cast %parallel_loop3A_153 : i32 to index
      %parallel_loop3A_181 = arith.constant 48 : index
      %parallel_loop3A_182 = tpu.vector_load %arg11[%parallel_loop3A_180, %parallel_loop3A_181] {strides = array<i32>} : memref<128x128xf32, #tpu.memory_space<vmem>>, vector<16xf32>,
      %parallel_loop3A_183 = arith.index_cast %parallel_loop3A_153 : i32 to index
      %parallel_loop3A_184 = arith.constant 48 : index
      %parallel_loop3A_185 = tpu.vector_load %arg13[%parallel_loop3A_183, %parallel_loop3A_184] {strides = array<i32>} : memref<128x128xf32, #tpu.memory_space<vmem>>, vector<16xf32>,
      %parallel_loop3A_186 = arith.mulf %parallel_loop3A_182, %parallel_loop3A_185 : vector<16xf32>
      %parallel_loop3A_187 = arith.mulf %parallel_loop3A_186, %get3A_11 : vector<16xf32>
      %parallel_loop3A_188 = arith.addf %parallel_loop3A_179, %parallel_loop3A_187 : vector<16xf32>
      %parallel_loop3A_189 = arith.index_cast %parallel_loop3A_153 : i32 to index
      %parallel_loop3A_190 = arith.constant 64 : index
      %parallel_loop3A_191 = tpu.vector_load %arg11[%parallel_loop3A_189, %parallel_loop3A_190] {strides = array<i32>} : memref<128x128xf32, #tpu.memory_space<vmem>>, vector<16xf32>,
      %parallel_loop3A_192 = arith.index_cast %parallel_loop3A_153 : i32 to index
      %parallel_loop3A_193 = arith.constant 64 : index
      %parallel_loop3A_194 = tpu.vector_load %arg13[%parallel_loop3A_192, %parallel_loop3A_193] {strides = array<i32>} : memref<128x128xf32, #tpu.memory_space<vmem>>, vector<16xf32>,
      %parallel_loop3A_195 = arith.mulf %parallel_loop3A_191, %parallel_loop3A_194 : vector<16xf32>
      %parallel_loop3A_196 = arith.mulf %parallel_loop3A_195, %get3A_13 : vector<16xf32>
      %parallel_loop3A_197 = arith.addf %parallel_loop3A_188, %parallel_loop3A_196 : vector<16xf32>
      %parallel_loop3A_198 = arith.index_cast %parallel_loop3A_153 : i32 to index
      %parallel_loop3A_199 = arith.constant 80 : index
      %parallel_loop3A_200 = tpu.vector_load %arg11[%parallel_loop3A_198, %parallel_loop3A_199] {strides = array<i32>} : memref<128x128xf32, #tpu.memory_space<vmem>>, vector<16xf32>,
      %parallel_loop3A_201 = arith.index_cast %parallel_loop3A_153 : i32 to index
      %parallel_loop3A_202 = arith.constant 80 : index
      %parallel_loop3A_203 = tpu.vector_load %arg13[%parallel_loop3A_201, %parallel_loop3A_202] {strides = array<i32>} : memref<128x128xf32, #tpu.memory_space<vmem>>, vector<16xf32>,
      %parallel_loop3A_204 = arith.mulf %parallel_loop3A_200, %parallel_loop3A_203 : vector<16xf32>
      %parallel_loop3A_205 = arith.mulf %parallel_loop3A_204, %get3A_15 : vector<16xf32>
      %parallel_loop3A_206 = arith.addf %parallel_loop3A_197, %parallel_loop3A_205 : vector<16xf32>
      %parallel_loop3A_207 = arith.index_cast %parallel_loop3A_153 : i32 to index
      %parallel_loop3A_208 = arith.constant 96 : index
      %parallel_loop3A_209 = tpu.vector_load %arg11[%parallel_loop3A_207, %parallel_loop3A_208] {strides = array<i32>} : memref<128x128xf32, #tpu.memory_space<vmem>>, vector<16xf32>,
      %parallel_loop3A_210 = arith.index_cast %parallel_loop3A_153 : i32 to index
      %parallel_loop3A_211 = arith.constant 96 : index
      %parallel_loop3A_212 = tpu.vector_load %arg13[%parallel_loop3A_210, %parallel_loop3A_211] {strides = array<i32>} : memref<128x128xf32, #tpu.memory_space<vmem>>, vector<16xf32>,
      %parallel_loop3A_213 = arith.mulf %parallel_loop3A_209, %parallel_loop3A_212 : vector<16xf32>
      %parallel_loop3A_214 = arith.mulf %parallel_loop3A_213, %get3A_17 : vector<16xf32>
      %parallel_loop3A_215 = arith.addf %parallel_loop3A_206, %parallel_loop3A_214 : vector<16xf32>
      %parallel_loop3A_216 = arith.index_cast %parallel_loop3A_153 : i32 to index
      %parallel_loop3A_217 = arith.constant 112 : index
      %parallel_loop3A_218 = tpu.vector_load %arg11[%parallel_loop3A_216, %parallel_loop3A_217] {strides = array<i32>} : memref<128x128xf32, #tpu.memory_space<vmem>>, vector<16xf32>,
      %parallel_loop3A_219 = arith.index_cast %parallel_loop3A_153 : i32 to index
      %parallel_loop3A_220 = arith.constant 112 : index
      %parallel_loop3A_221 = tpu.vector_load %arg13[%parallel_loop3A_219, %parallel_loop3A_220] {strides = array<i32>} : memref<128x128xf32, #tpu.memory_space<vmem>>, vector<16xf32>,
      %parallel_loop3A_222 = arith.mulf %parallel_loop3A_218, %parallel_loop3A_221 : vector<16xf32>
      %parallel_loop3A_223 = arith.mulf %parallel_loop3A_222, %get3A_19 : vector<16xf32>
      %parallel_loop3A_224 = arith.addf %parallel_loop3A_215, %parallel_loop3A_223 : vector<16xf32>
      %parallel_loop3A_225 = arith.index_cast %parallel_loop3A_153 : i32 to index
      %parallel_loop3A_226 = arith.constant 0 : index
      %parallel_loop3A_227 = tpu.vector_load %arg18[%parallel_loop3A_225, %parallel_loop3A_226] {strides = array<i32>} : memref<128x16xf32, #tpu.memory_space<vmem>>, vector<16xf32>,
      tpu.vector_store %arg18[%parallel_loop3A_225, %parallel_loop3A_226], %parallel_loop3A_224 {strides = array<i32>} : memref<128x16xf32, #tpu.memory_space<vmem>>, vector<16xf32>,
    } {sc.loop_unroll_factor = 1 : i64, sc.parallel_access}
    %parallel_loop3A_62 = arith.constant 0 : i32
    %parallel_loop3A_63 = arith.constant 8 : i32
    %parallel_loop3A_64 = arith.constant 1 : i32
    scf.for %parallel_loop3A_153 = %parallel_loop3A_62 to %parallel_loop3A_63 step %parallel_loop3A_64  : i32 {
      %parallel_loop3A_154 = arith.constant 16 : i32
      %parallel_loop3A_155 = arith.muli %parallel_loop3A_153, %parallel_loop3A_154 : i32
      %parallel_loop3A_156 = vector.broadcast %parallel_loop3A_155 : i32 to vector<16xi32>
      %parallel_loop3A_157 = arith.addi %iota3A, %parallel_loop3A_156 : vector<16xi32>
      %parallel_loop3A_158 = arith.constant 0 : i32
      %parallel_loop3A_159 = vector.broadcast %parallel_loop3A_158 : i32 to vector<16xi32>
      %parallel_loop3A_160 = tpu.vector_load_idx %arg18[%parallel_loop3A_157, %parallel_loop3A_159] : memref<128x16xf32, #tpu.memory_space<vmem>>[vector<16xi32>, vector<16xi32>], vector<16xf32>,
      %parallel_loop3A_161 = arith.constant 1 : i32
      %parallel_loop3A_162 = vector.broadcast %parallel_loop3A_161 : i32 to vector<16xi32>
      %parallel_loop3A_163 = tpu.vector_load_idx %arg18[%parallel_loop3A_157, %parallel_loop3A_162] : memref<128x16xf32, #tpu.memory_space<vmem>>[vector<16xi32>, vector<16xi32>], vector<16xf32>,
      %parallel_loop3A_164 = arith.constant 2 : i32
      %parallel_loop3A_165 = vector.broadcast %parallel_loop3A_164 : i32 to vector<16xi32>
      %parallel_loop3A_166 = tpu.vector_load_idx %arg18[%parallel_loop3A_157, %parallel_loop3A_165] : memref<128x16xf32, #tpu.memory_space<vmem>>[vector<16xi32>, vector<16xi32>], vector<16xf32>,
      %parallel_loop3A_167 = arith.constant 3 : i32
      %parallel_loop3A_168 = vector.broadcast %parallel_loop3A_167 : i32 to vector<16xi32>
      %parallel_loop3A_169 = tpu.vector_load_idx %arg18[%parallel_loop3A_157, %parallel_loop3A_168] : memref<128x16xf32, #tpu.memory_space<vmem>>[vector<16xi32>, vector<16xi32>], vector<16xf32>,
      %parallel_loop3A_170 = arith.constant 4 : i32
      %parallel_loop3A_171 = vector.broadcast %parallel_loop3A_170 : i32 to vector<16xi32>
      %parallel_loop3A_172 = tpu.vector_load_idx %arg18[%parallel_loop3A_157, %parallel_loop3A_171] : memref<128x16xf32, #tpu.memory_space<vmem>>[vector<16xi32>, vector<16xi32>], vector<16xf32>,
      %parallel_loop3A_173 = arith.constant 5 : i32
      %parallel_loop3A_174 = vector.broadcast %parallel_loop3A_173 : i32 to vector<16xi32>
      %parallel_loop3A_175 = tpu.vector_load_idx %arg18[%parallel_loop3A_157, %parallel_loop3A_174] : memref<128x16xf32, #tpu.memory_space<vmem>>[vector<16xi32>, vector<16xi32>], vector<16xf32>,
      %parallel_loop3A_176 = arith.constant 6 : i32
      %parallel_loop3A_177 = vector.broadcast %parallel_loop3A_176 : i32 to vector<16xi32>
      %parallel_loop3A_178 = tpu.vector_load_idx %arg18[%parallel_loop3A_157, %parallel_loop3A_177] : memref<128x16xf32, #tpu.memory_space<vmem>>[vector<16xi32>, vector<16xi32>], vector<16xf32>,
      %parallel_loop3A_179 = arith.constant 7 : i32
      %parallel_loop3A_180 = vector.broadcast %parallel_loop3A_179 : i32 to vector<16xi32>
      %parallel_loop3A_181 = tpu.vector_load_idx %arg18[%parallel_loop3A_157, %parallel_loop3A_180] : memref<128x16xf32, #tpu.memory_space<vmem>>[vector<16xi32>, vector<16xi32>], vector<16xf32>,
      %parallel_loop3A_182 = arith.constant 8 : i32
      %parallel_loop3A_183 = vector.broadcast %parallel_loop3A_182 : i32 to vector<16xi32>
      %parallel_loop3A_184 = tpu.vector_load_idx %arg18[%parallel_loop3A_157, %parallel_loop3A_183] : memref<128x16xf32, #tpu.memory_space<vmem>>[vector<16xi32>, vector<16xi32>], vector<16xf32>,
      %parallel_loop3A_185 = arith.constant 9 : i32
      %parallel_loop3A_186 = vector.broadcast %parallel_loop3A_185 : i32 to vector<16xi32>
      %parallel_loop3A_187 = tpu.vector_load_idx %arg18[%parallel_loop3A_157, %parallel_loop3A_186] : memref<128x16xf32, #tpu.memory_space<vmem>>[vector<16xi32>, vector<16xi32>], vector<16xf32>,
      %parallel_loop3A_188 = arith.constant 10 : i32
      %parallel_loop3A_189 = vector.broadcast %parallel_loop3A_188 : i32 to vector<16xi32>
      %parallel_loop3A_190 = tpu.vector_load_idx %arg18[%parallel_loop3A_157, %parallel_loop3A_189] : memref<128x16xf32, #tpu.memory_space<vmem>>[vector<16xi32>, vector<16xi32>], vector<16xf32>,
      %parallel_loop3A_191 = arith.constant 11 : i32
      %parallel_loop3A_192 = vector.broadcast %parallel_loop3A_191 : i32 to vector<16xi32>
      %parallel_loop3A_193 = tpu.vector_load_idx %arg18[%parallel_loop3A_157, %parallel_loop3A_192] : memref<128x16xf32, #tpu.memory_space<vmem>>[vector<16xi32>, vector<16xi32>], vector<16xf32>,
      %parallel_loop3A_194 = arith.constant 12 : i32
      %parallel_loop3A_195 = vector.broadcast %parallel_loop3A_194 : i32 to vector<16xi32>
      %parallel_loop3A_196 = tpu.vector_load_idx %arg18[%parallel_loop3A_157, %parallel_loop3A_195] : memref<128x16xf32, #tpu.memory_space<vmem>>[vector<16xi32>, vector<16xi32>], vector<16xf32>,
      %parallel_loop3A_197 = arith.constant 13 : i32
      %parallel_loop3A_198 = vector.broadcast %parallel_loop3A_197 : i32 to vector<16xi32>
      %parallel_loop3A_199 = tpu.vector_load_idx %arg18[%parallel_loop3A_157, %parallel_loop3A_198] : memref<128x16xf32, #tpu.memory_space<vmem>>[vector<16xi32>, vector<16xi32>], vector<16xf32>,
      %parallel_loop3A_200 = arith.constant 14 : i32
      %parallel_loop3A_201 = vector.broadcast %parallel_loop3A_200 : i32 to vector<16xi32>
      %parallel_loop3A_202 = tpu.vector_load_idx %arg18[%parallel_loop3A_157, %parallel_loop3A_201] : memref<128x16xf32, #tpu.memory_space<vmem>>[vector<16xi32>, vector<16xi32>], vector<16xf32>,
      %parallel_loop3A_203 = arith.constant 15 : i32
      %parallel_loop3A_204 = vector.broadcast %parallel_loop3A_203 : i32 to vector<16xi32>
      %parallel_loop3A_205 = tpu.vector_load_idx %arg18[%parallel_loop3A_157, %parallel_loop3A_204] : memref<128x16xf32, #tpu.memory_space<vmem>>[vector<16xi32>, vector<16xi32>], vector<16xf32>,
      %parallel_loop3A_206 = arith.addf %parallel_loop3A_160, %parallel_loop3A_163 : vector<16xf32>
      %parallel_loop3A_207 = arith.addf %parallel_loop3A_166, %parallel_loop3A_169 : vector<16xf32>
      %parallel_loop3A_208 = arith.addf %parallel_loop3A_172, %parallel_loop3A_175 : vector<16xf32>
      %parallel_loop3A_209 = arith.addf %parallel_loop3A_178, %parallel_loop3A_181 : vector<16xf32>
      %parallel_loop3A_210 = arith.addf %parallel_loop3A_184, %parallel_loop3A_187 : vector<16xf32>
      %parallel_loop3A_211 = arith.addf %parallel_loop3A_190, %parallel_loop3A_193 : vector<16xf32>
      %parallel_loop3A_212 = arith.addf %parallel_loop3A_196, %parallel_loop3A_199 : vector<16xf32>
      %parallel_loop3A_213 = arith.addf %parallel_loop3A_202, %parallel_loop3A_205 : vector<16xf32>
      %parallel_loop3A_214 = arith.addf %parallel_loop3A_206, %parallel_loop3A_207 : vector<16xf32>
      %parallel_loop3A_215 = arith.addf %parallel_loop3A_208, %parallel_loop3A_209 : vector<16xf32>
      %parallel_loop3A_216 = arith.addf %parallel_loop3A_210, %parallel_loop3A_211 : vector<16xf32>
      %parallel_loop3A_217 = arith.addf %parallel_loop3A_212, %parallel_loop3A_213 : vector<16xf32>
      %parallel_loop3A_218 = arith.addf %parallel_loop3A_214, %parallel_loop3A_215 : vector<16xf32>
      %parallel_loop3A_219 = arith.addf %parallel_loop3A_216, %parallel_loop3A_217 : vector<16xf32>
      %parallel_loop3A_220 = arith.addf %parallel_loop3A_218, %parallel_loop3A_219 : vector<16xf32>
      %parallel_loop3A_221 = arith.addf %parallel_loop3A_220, %get3A_3 : vector<16xf32>
      %parallel_loop3A_222 = arith.constant 16 : i32
      %parallel_loop3A_223 = arith.muli %parallel_loop3A_153, %parallel_loop3A_222 : i32
      %parallel_loop3A_224 = arith.constant 0 : i32
      %parallel_loop3A_225 = arith.index_cast %parallel_loop3A_224 : i32 to index
      %parallel_loop3A_226 = arith.index_cast %parallel_loop3A_223 : i32 to index
      %parallel_loop3A_227 = tpu.vector_load %arg15[%parallel_loop3A_225, %parallel_loop3A_226] {strides = array<i32>} : memref<4x128xf32, #tpu.memory_space<vmem>>, vector<16xf32>,
      tpu.vector_store %arg15[%parallel_loop3A_225, %parallel_loop3A_226], %parallel_loop3A_221 {strides = array<i32>} : memref<4x128xf32, #tpu.memory_space<vmem>>, vector<16xf32>,
    } {sc.loop_unroll_factor = 1 : i64, sc.parallel_access}
    %dma_start3A_65 = arith.constant 2 : i32
    %dma_start3A_66 = arith.constant 0 : i32
    %dma_start3A_67 = tpu.memref_slice %arg9[%dma_start3A_65, %dma_start3A_66] : memref<4x128xi32, #tpu.memory_space<vmem>> -> memref<1x128xi32, #tpu.memory_space<vmem>>
    %dma_start3A_68 = tpu.memref_squeeze %dma_start3A_67 : memref<1x128xi32, #tpu.memory_space<vmem>> -> memref<128xi32, #tpu.memory_space<vmem>>
    %dma_start3A_69 = arith.constant 0 : i32
    %dma_start3A_70 = arith.constant 0 : i32
    %dma_start3A_71 = tpu.memref_slice %arg4[%dma_start3A_69, %dma_start3A_70] : memref<100000x128xf32, #tpu.memory_space<hbm>> -> memref<100000x128xf32, #tpu.memory_space<hbm>>
    tpu.enqueue_indirect_dma source(%dma_start3A_71 : memref<100000x128xf32, #tpu.memory_space<hbm>>) target(%arg11 : memref<128x128xf32, #tpu.memory_space<vmem>>) offsets(%dma_start3A_68 : memref<128xi32, #tpu.memory_space<vmem>>) semaphore(%arg19 : memref<!tpu.dma_semaphore, #tpu.memory_space<semaphore_mem>>)
    %dma_start3A_72 = arith.constant 2 : i32
    %dma_start3A_73 = arith.constant 0 : i32
    %dma_start3A_74 = tpu.memref_slice %arg10[%dma_start3A_72, %dma_start3A_73] : memref<4x128xi32, #tpu.memory_space<vmem>> -> memref<1x128xi32, #tpu.memory_space<vmem>>
    %dma_start3A_75 = tpu.memref_squeeze %dma_start3A_74 : memref<1x128xi32, #tpu.memory_space<vmem>> -> memref<128xi32, #tpu.memory_space<vmem>>
    %dma_start3A_76 = arith.constant 0 : i32
    %dma_start3A_77 = arith.constant 0 : i32
    %dma_start3A_78 = tpu.memref_slice %arg5[%dma_start3A_76, %dma_start3A_77] : memref<1000000x128xf32, #tpu.memory_space<hbm>> -> memref<1000000x128xf32, #tpu.memory_space<hbm>>
    tpu.enqueue_indirect_dma source(%dma_start3A_78 : memref<1000000x128xf32, #tpu.memory_space<hbm>>) target(%arg13 : memref<128x128xf32, #tpu.memory_space<vmem>>) offsets(%dma_start3A_75 : memref<128xi32, #tpu.memory_space<vmem>>) semaphore(%arg21 : memref<!tpu.dma_semaphore, #tpu.memory_space<semaphore_mem>>)
    %dma_wait3A_79 = arith.constant 1 : i32
    %dma_wait3A_80 = arith.constant 0 : i32
    %dma_wait3A_81 = tpu.memref_slice %arg9[%dma_wait3A_79, %dma_wait3A_80] : memref<4x128xi32, #tpu.memory_space<vmem>> -> memref<1x128xi32, #tpu.memory_space<vmem>>
    %dma_wait3A_82 = tpu.memref_squeeze %dma_wait3A_81 : memref<1x128xi32, #tpu.memory_space<vmem>> -> memref<128xi32, #tpu.memory_space<vmem>>
    %dma_wait3A_83 = arith.constant 0 : i32
    %dma_wait3A_84 = arith.constant 0 : i32
    %dma_wait3A_85 = tpu.memref_slice %arg4[%dma_wait3A_83, %dma_wait3A_84] : memref<100000x128xf32, #tpu.memory_space<hbm>> -> memref<100000x128xf32, #tpu.memory_space<hbm>>
    tpu.wait_indirect_dma semaphore(%arg20 : memref<!tpu.dma_semaphore, #tpu.memory_space<semaphore_mem>>) src(%dma_wait3A_85 : memref<100000x128xf32, #tpu.memory_space<hbm>>) dst(%arg12 : memref<128x128xf32, #tpu.memory_space<vmem>>)
    %dma_wait3A_86 = arith.constant 1 : i32
    %dma_wait3A_87 = arith.constant 0 : i32
    %dma_wait3A_88 = tpu.memref_slice %arg10[%dma_wait3A_86, %dma_wait3A_87] : memref<4x128xi32, #tpu.memory_space<vmem>> -> memref<1x128xi32, #tpu.memory_space<vmem>>
    %dma_wait3A_89 = tpu.memref_squeeze %dma_wait3A_88 : memref<1x128xi32, #tpu.memory_space<vmem>> -> memref<128xi32, #tpu.memory_space<vmem>>
    %dma_wait3A_90 = arith.constant 0 : i32
    %dma_wait3A_91 = arith.constant 0 : i32
    %dma_wait3A_92 = tpu.memref_slice %arg5[%dma_wait3A_90, %dma_wait3A_91] : memref<1000000x128xf32, #tpu.memory_space<hbm>> -> memref<1000000x128xf32, #tpu.memory_space<hbm>>
    tpu.wait_indirect_dma semaphore(%arg22 : memref<!tpu.dma_semaphore, #tpu.memory_space<semaphore_mem>>) src(%dma_wait3A_92 : memref<1000000x128xf32, #tpu.memory_space<hbm>>) dst(%arg14 : memref<128x128xf32, #tpu.memory_space<vmem>>)
    %parallel_loop3A_93 = arith.constant 0 : i32
    %parallel_loop3A_94 = arith.constant 128 : i32
    %parallel_loop3A_95 = arith.constant 1 : i32
    scf.for %parallel_loop3A_153 = %parallel_loop3A_93 to %parallel_loop3A_94 step %parallel_loop3A_95  : i32 {
      %parallel_loop3A_154 = arith.index_cast %parallel_loop3A_153 : i32 to index
      %parallel_loop3A_155 = arith.constant 0 : index
      %parallel_loop3A_156 = tpu.vector_load %arg12[%parallel_loop3A_154, %parallel_loop3A_155] {strides = array<i32>} : memref<128x128xf32, #tpu.memory_space<vmem>>, vector<16xf32>,
      %parallel_loop3A_157 = arith.index_cast %parallel_loop3A_153 : i32 to index
      %parallel_loop3A_158 = arith.constant 0 : index
      %parallel_loop3A_159 = tpu.vector_load %arg14[%parallel_loop3A_157, %parallel_loop3A_158] {strides = array<i32>} : memref<128x128xf32, #tpu.memory_space<vmem>>, vector<16xf32>,
      %parallel_loop3A_160 = arith.mulf %parallel_loop3A_156, %parallel_loop3A_159 : vector<16xf32>
      %parallel_loop3A_161 = arith.mulf %parallel_loop3A_160, %get3A_5 : vector<16xf32>
      %parallel_loop3A_162 = arith.index_cast %parallel_loop3A_153 : i32 to index
      %parallel_loop3A_163 = arith.constant 16 : index
      %parallel_loop3A_164 = tpu.vector_load %arg12[%parallel_loop3A_162, %parallel_loop3A_163] {strides = array<i32>} : memref<128x128xf32, #tpu.memory_space<vmem>>, vector<16xf32>,
      %parallel_loop3A_165 = arith.index_cast %parallel_loop3A_153 : i32 to index
      %parallel_loop3A_166 = arith.constant 16 : index
      %parallel_loop3A_167 = tpu.vector_load %arg14[%parallel_loop3A_165, %parallel_loop3A_166] {strides = array<i32>} : memref<128x128xf32, #tpu.memory_space<vmem>>, vector<16xf32>,
      %parallel_loop3A_168 = arith.mulf %parallel_loop3A_164, %parallel_loop3A_167 : vector<16xf32>
      %parallel_loop3A_169 = arith.mulf %parallel_loop3A_168, %get3A_7 : vector<16xf32>
      %parallel_loop3A_170 = arith.addf %parallel_loop3A_161, %parallel_loop3A_169 : vector<16xf32>
      %parallel_loop3A_171 = arith.index_cast %parallel_loop3A_153 : i32 to index
      %parallel_loop3A_172 = arith.constant 32 : index
      %parallel_loop3A_173 = tpu.vector_load %arg12[%parallel_loop3A_171, %parallel_loop3A_172] {strides = array<i32>} : memref<128x128xf32, #tpu.memory_space<vmem>>, vector<16xf32>,
      %parallel_loop3A_174 = arith.index_cast %parallel_loop3A_153 : i32 to index
      %parallel_loop3A_175 = arith.constant 32 : index
      %parallel_loop3A_176 = tpu.vector_load %arg14[%parallel_loop3A_174, %parallel_loop3A_175] {strides = array<i32>} : memref<128x128xf32, #tpu.memory_space<vmem>>, vector<16xf32>,
      %parallel_loop3A_177 = arith.mulf %parallel_loop3A_173, %parallel_loop3A_176 : vector<16xf32>
      %parallel_loop3A_178 = arith.mulf %parallel_loop3A_177, %get3A_9 : vector<16xf32>
      %parallel_loop3A_179 = arith.addf %parallel_loop3A_170, %parallel_loop3A_178 : vector<16xf32>
      %parallel_loop3A_180 = arith.index_cast %parallel_loop3A_153 : i32 to index
      %parallel_loop3A_181 = arith.constant 48 : index
      %parallel_loop3A_182 = tpu.vector_load %arg12[%parallel_loop3A_180, %parallel_loop3A_181] {strides = array<i32>} : memref<128x128xf32, #tpu.memory_space<vmem>>, vector<16xf32>,
      %parallel_loop3A_183 = arith.index_cast %parallel_loop3A_153 : i32 to index
      %parallel_loop3A_184 = arith.constant 48 : index
      %parallel_loop3A_185 = tpu.vector_load %arg14[%parallel_loop3A_183, %parallel_loop3A_184] {strides = array<i32>} : memref<128x128xf32, #tpu.memory_space<vmem>>, vector<16xf32>,
      %parallel_loop3A_186 = arith.mulf %parallel_loop3A_182, %parallel_loop3A_185 : vector<16xf32>
      %parallel_loop3A_187 = arith.mulf %parallel_loop3A_186, %get3A_11 : vector<16xf32>
      %parallel_loop3A_188 = arith.addf %parallel_loop3A_179, %parallel_loop3A_187 : vector<16xf32>
      %parallel_loop3A_189 = arith.index_cast %parallel_loop3A_153 : i32 to index
      %parallel_loop3A_190 = arith.constant 64 : index
      %parallel_loop3A_191 = tpu.vector_load %arg12[%parallel_loop3A_189, %parallel_loop3A_190] {strides = array<i32>} : memref<128x128xf32, #tpu.memory_space<vmem>>, vector<16xf32>,
      %parallel_loop3A_192 = arith.index_cast %parallel_loop3A_153 : i32 to index
      %parallel_loop3A_193 = arith.constant 64 : index
      %parallel_loop3A_194 = tpu.vector_load %arg14[%parallel_loop3A_192, %parallel_loop3A_193] {strides = array<i32>} : memref<128x128xf32, #tpu.memory_space<vmem>>, vector<16xf32>,
      %parallel_loop3A_195 = arith.mulf %parallel_loop3A_191, %parallel_loop3A_194 : vector<16xf32>
      %parallel_loop3A_196 = arith.mulf %parallel_loop3A_195, %get3A_13 : vector<16xf32>
      %parallel_loop3A_197 = arith.addf %parallel_loop3A_188, %parallel_loop3A_196 : vector<16xf32>
      %parallel_loop3A_198 = arith.index_cast %parallel_loop3A_153 : i32 to index
      %parallel_loop3A_199 = arith.constant 80 : index
      %parallel_loop3A_200 = tpu.vector_load %arg12[%parallel_loop3A_198, %parallel_loop3A_199] {strides = array<i32>} : memref<128x128xf32, #tpu.memory_space<vmem>>, vector<16xf32>,
      %parallel_loop3A_201 = arith.index_cast %parallel_loop3A_153 : i32 to index
      %parallel_loop3A_202 = arith.constant 80 : index
      %parallel_loop3A_203 = tpu.vector_load %arg14[%parallel_loop3A_201, %parallel_loop3A_202] {strides = array<i32>} : memref<128x128xf32, #tpu.memory_space<vmem>>, vector<16xf32>,
      %parallel_loop3A_204 = arith.mulf %parallel_loop3A_200, %parallel_loop3A_203 : vector<16xf32>
      %parallel_loop3A_205 = arith.mulf %parallel_loop3A_204, %get3A_15 : vector<16xf32>
      %parallel_loop3A_206 = arith.addf %parallel_loop3A_197, %parallel_loop3A_205 : vector<16xf32>
      %parallel_loop3A_207 = arith.index_cast %parallel_loop3A_153 : i32 to index
      %parallel_loop3A_208 = arith.constant 96 : index
      %parallel_loop3A_209 = tpu.vector_load %arg12[%parallel_loop3A_207, %parallel_loop3A_208] {strides = array<i32>} : memref<128x128xf32, #tpu.memory_space<vmem>>, vector<16xf32>,
      %parallel_loop3A_210 = arith.index_cast %parallel_loop3A_153 : i32 to index
      %parallel_loop3A_211 = arith.constant 96 : index
      %parallel_loop3A_212 = tpu.vector_load %arg14[%parallel_loop3A_210, %parallel_loop3A_211] {strides = array<i32>} : memref<128x128xf32, #tpu.memory_space<vmem>>, vector<16xf32>,
      %parallel_loop3A_213 = arith.mulf %parallel_loop3A_209, %parallel_loop3A_212 : vector<16xf32>
      %parallel_loop3A_214 = arith.mulf %parallel_loop3A_213, %get3A_17 : vector<16xf32>
      %parallel_loop3A_215 = arith.addf %parallel_loop3A_206, %parallel_loop3A_214 : vector<16xf32>
      %parallel_loop3A_216 = arith.index_cast %parallel_loop3A_153 : i32 to index
      %parallel_loop3A_217 = arith.constant 112 : index
      %parallel_loop3A_218 = tpu.vector_load %arg12[%parallel_loop3A_216, %parallel_loop3A_217] {strides = array<i32>} : memref<128x128xf32, #tpu.memory_space<vmem>>, vector<16xf32>,
      %parallel_loop3A_219 = arith.index_cast %parallel_loop3A_153 : i32 to index
      %parallel_loop3A_220 = arith.constant 112 : index
      %parallel_loop3A_221 = tpu.vector_load %arg14[%parallel_loop3A_219, %parallel_loop3A_220] {strides = array<i32>} : memref<128x128xf32, #tpu.memory_space<vmem>>, vector<16xf32>,
      %parallel_loop3A_222 = arith.mulf %parallel_loop3A_218, %parallel_loop3A_221 : vector<16xf32>
      %parallel_loop3A_223 = arith.mulf %parallel_loop3A_222, %get3A_19 : vector<16xf32>
      %parallel_loop3A_224 = arith.addf %parallel_loop3A_215, %parallel_loop3A_223 : vector<16xf32>
      %parallel_loop3A_225 = arith.index_cast %parallel_loop3A_153 : i32 to index
      %parallel_loop3A_226 = arith.constant 0 : index
      %parallel_loop3A_227 = tpu.vector_load %arg18[%parallel_loop3A_225, %parallel_loop3A_226] {strides = array<i32>} : memref<128x16xf32, #tpu.memory_space<vmem>>, vector<16xf32>,
      tpu.vector_store %arg18[%parallel_loop3A_225, %parallel_loop3A_226], %parallel_loop3A_224 {strides = array<i32>} : memref<128x16xf32, #tpu.memory_space<vmem>>, vector<16xf32>,
    } {sc.loop_unroll_factor = 1 : i64, sc.parallel_access}
    %parallel_loop3A_96 = arith.constant 0 : i32
    %parallel_loop3A_97 = arith.constant 8 : i32
    %parallel_loop3A_98 = arith.constant 1 : i32
    scf.for %parallel_loop3A_153 = %parallel_loop3A_96 to %parallel_loop3A_97 step %parallel_loop3A_98  : i32 {
      %parallel_loop3A_154 = arith.constant 16 : i32
      %parallel_loop3A_155 = arith.muli %parallel_loop3A_153, %parallel_loop3A_154 : i32
      %parallel_loop3A_156 = vector.broadcast %parallel_loop3A_155 : i32 to vector<16xi32>
      %parallel_loop3A_157 = arith.addi %iota3A, %parallel_loop3A_156 : vector<16xi32>
      %parallel_loop3A_158 = arith.constant 0 : i32
      %parallel_loop3A_159 = vector.broadcast %parallel_loop3A_158 : i32 to vector<16xi32>
      %parallel_loop3A_160 = tpu.vector_load_idx %arg18[%parallel_loop3A_157, %parallel_loop3A_159] : memref<128x16xf32, #tpu.memory_space<vmem>>[vector<16xi32>, vector<16xi32>], vector<16xf32>,
      %parallel_loop3A_161 = arith.constant 1 : i32
      %parallel_loop3A_162 = vector.broadcast %parallel_loop3A_161 : i32 to vector<16xi32>
      %parallel_loop3A_163 = tpu.vector_load_idx %arg18[%parallel_loop3A_157, %parallel_loop3A_162] : memref<128x16xf32, #tpu.memory_space<vmem>>[vector<16xi32>, vector<16xi32>], vector<16xf32>,
      %parallel_loop3A_164 = arith.constant 2 : i32
      %parallel_loop3A_165 = vector.broadcast %parallel_loop3A_164 : i32 to vector<16xi32>
      %parallel_loop3A_166 = tpu.vector_load_idx %arg18[%parallel_loop3A_157, %parallel_loop3A_165] : memref<128x16xf32, #tpu.memory_space<vmem>>[vector<16xi32>, vector<16xi32>], vector<16xf32>,
      %parallel_loop3A_167 = arith.constant 3 : i32
      %parallel_loop3A_168 = vector.broadcast %parallel_loop3A_167 : i32 to vector<16xi32>
      %parallel_loop3A_169 = tpu.vector_load_idx %arg18[%parallel_loop3A_157, %parallel_loop3A_168] : memref<128x16xf32, #tpu.memory_space<vmem>>[vector<16xi32>, vector<16xi32>], vector<16xf32>,
      %parallel_loop3A_170 = arith.constant 4 : i32
      %parallel_loop3A_171 = vector.broadcast %parallel_loop3A_170 : i32 to vector<16xi32>
      %parallel_loop3A_172 = tpu.vector_load_idx %arg18[%parallel_loop3A_157, %parallel_loop3A_171] : memref<128x16xf32, #tpu.memory_space<vmem>>[vector<16xi32>, vector<16xi32>], vector<16xf32>,
      %parallel_loop3A_173 = arith.constant 5 : i32
      %parallel_loop3A_174 = vector.broadcast %parallel_loop3A_173 : i32 to vector<16xi32>
      %parallel_loop3A_175 = tpu.vector_load_idx %arg18[%parallel_loop3A_157, %parallel_loop3A_174] : memref<128x16xf32, #tpu.memory_space<vmem>>[vector<16xi32>, vector<16xi32>], vector<16xf32>,
      %parallel_loop3A_176 = arith.constant 6 : i32
      %parallel_loop3A_177 = vector.broadcast %parallel_loop3A_176 : i32 to vector<16xi32>
      %parallel_loop3A_178 = tpu.vector_load_idx %arg18[%parallel_loop3A_157, %parallel_loop3A_177] : memref<128x16xf32, #tpu.memory_space<vmem>>[vector<16xi32>, vector<16xi32>], vector<16xf32>,
      %parallel_loop3A_179 = arith.constant 7 : i32
      %parallel_loop3A_180 = vector.broadcast %parallel_loop3A_179 : i32 to vector<16xi32>
      %parallel_loop3A_181 = tpu.vector_load_idx %arg18[%parallel_loop3A_157, %parallel_loop3A_180] : memref<128x16xf32, #tpu.memory_space<vmem>>[vector<16xi32>, vector<16xi32>], vector<16xf32>,
      %parallel_loop3A_182 = arith.constant 8 : i32
      %parallel_loop3A_183 = vector.broadcast %parallel_loop3A_182 : i32 to vector<16xi32>
      %parallel_loop3A_184 = tpu.vector_load_idx %arg18[%parallel_loop3A_157, %parallel_loop3A_183] : memref<128x16xf32, #tpu.memory_space<vmem>>[vector<16xi32>, vector<16xi32>], vector<16xf32>,
      %parallel_loop3A_185 = arith.constant 9 : i32
      %parallel_loop3A_186 = vector.broadcast %parallel_loop3A_185 : i32 to vector<16xi32>
      %parallel_loop3A_187 = tpu.vector_load_idx %arg18[%parallel_loop3A_157, %parallel_loop3A_186] : memref<128x16xf32, #tpu.memory_space<vmem>>[vector<16xi32>, vector<16xi32>], vector<16xf32>,
      %parallel_loop3A_188 = arith.constant 10 : i32
      %parallel_loop3A_189 = vector.broadcast %parallel_loop3A_188 : i32 to vector<16xi32>
      %parallel_loop3A_190 = tpu.vector_load_idx %arg18[%parallel_loop3A_157, %parallel_loop3A_189] : memref<128x16xf32, #tpu.memory_space<vmem>>[vector<16xi32>, vector<16xi32>], vector<16xf32>,
      %parallel_loop3A_191 = arith.constant 11 : i32
      %parallel_loop3A_192 = vector.broadcast %parallel_loop3A_191 : i32 to vector<16xi32>
      %parallel_loop3A_193 = tpu.vector_load_idx %arg18[%parallel_loop3A_157, %parallel_loop3A_192] : memref<128x16xf32, #tpu.memory_space<vmem>>[vector<16xi32>, vector<16xi32>], vector<16xf32>,
      %parallel_loop3A_194 = arith.constant 12 : i32
      %parallel_loop3A_195 = vector.broadcast %parallel_loop3A_194 : i32 to vector<16xi32>
      %parallel_loop3A_196 = tpu.vector_load_idx %arg18[%parallel_loop3A_157, %parallel_loop3A_195] : memref<128x16xf32, #tpu.memory_space<vmem>>[vector<16xi32>, vector<16xi32>], vector<16xf32>,
      %parallel_loop3A_197 = arith.constant 13 : i32
      %parallel_loop3A_198 = vector.broadcast %parallel_loop3A_197 : i32 to vector<16xi32>
      %parallel_loop3A_199 = tpu.vector_load_idx %arg18[%parallel_loop3A_157, %parallel_loop3A_198] : memref<128x16xf32, #tpu.memory_space<vmem>>[vector<16xi32>, vector<16xi32>], vector<16xf32>,
      %parallel_loop3A_200 = arith.constant 14 : i32
      %parallel_loop3A_201 = vector.broadcast %parallel_loop3A_200 : i32 to vector<16xi32>
      %parallel_loop3A_202 = tpu.vector_load_idx %arg18[%parallel_loop3A_157, %parallel_loop3A_201] : memref<128x16xf32, #tpu.memory_space<vmem>>[vector<16xi32>, vector<16xi32>], vector<16xf32>,
      %parallel_loop3A_203 = arith.constant 15 : i32
      %parallel_loop3A_204 = vector.broadcast %parallel_loop3A_203 : i32 to vector<16xi32>
      %parallel_loop3A_205 = tpu.vector_load_idx %arg18[%parallel_loop3A_157, %parallel_loop3A_204] : memref<128x16xf32, #tpu.memory_space<vmem>>[vector<16xi32>, vector<16xi32>], vector<16xf32>,
      %parallel_loop3A_206 = arith.addf %parallel_loop3A_160, %parallel_loop3A_163 : vector<16xf32>
      %parallel_loop3A_207 = arith.addf %parallel_loop3A_166, %parallel_loop3A_169 : vector<16xf32>
      %parallel_loop3A_208 = arith.addf %parallel_loop3A_172, %parallel_loop3A_175 : vector<16xf32>
      %parallel_loop3A_209 = arith.addf %parallel_loop3A_178, %parallel_loop3A_181 : vector<16xf32>
      %parallel_loop3A_210 = arith.addf %parallel_loop3A_184, %parallel_loop3A_187 : vector<16xf32>
      %parallel_loop3A_211 = arith.addf %parallel_loop3A_190, %parallel_loop3A_193 : vector<16xf32>
      %parallel_loop3A_212 = arith.addf %parallel_loop3A_196, %parallel_loop3A_199 : vector<16xf32>
      %parallel_loop3A_213 = arith.addf %parallel_loop3A_202, %parallel_loop3A_205 : vector<16xf32>
      %parallel_loop3A_214 = arith.addf %parallel_loop3A_206, %parallel_loop3A_207 : vector<16xf32>
      %parallel_loop3A_215 = arith.addf %parallel_loop3A_208, %parallel_loop3A_209 : vector<16xf32>
      %parallel_loop3A_216 = arith.addf %parallel_loop3A_210, %parallel_loop3A_211 : vector<16xf32>
      %parallel_loop3A_217 = arith.addf %parallel_loop3A_212, %parallel_loop3A_213 : vector<16xf32>
      %parallel_loop3A_218 = arith.addf %parallel_loop3A_214, %parallel_loop3A_215 : vector<16xf32>
      %parallel_loop3A_219 = arith.addf %parallel_loop3A_216, %parallel_loop3A_217 : vector<16xf32>
      %parallel_loop3A_220 = arith.addf %parallel_loop3A_218, %parallel_loop3A_219 : vector<16xf32>
      %parallel_loop3A_221 = arith.addf %parallel_loop3A_220, %get3A_3 : vector<16xf32>
      %parallel_loop3A_222 = arith.constant 16 : i32
      %parallel_loop3A_223 = arith.muli %parallel_loop3A_153, %parallel_loop3A_222 : i32
      %parallel_loop3A_224 = arith.constant 1 : i32
      %parallel_loop3A_225 = arith.index_cast %parallel_loop3A_224 : i32 to index
      %parallel_loop3A_226 = arith.index_cast %parallel_loop3A_223 : i32 to index
      %parallel_loop3A_227 = tpu.vector_load %arg15[%parallel_loop3A_225, %parallel_loop3A_226] {strides = array<i32>} : memref<4x128xf32, #tpu.memory_space<vmem>>, vector<16xf32>,
      tpu.vector_store %arg15[%parallel_loop3A_225, %parallel_loop3A_226], %parallel_loop3A_221 {strides = array<i32>} : memref<4x128xf32, #tpu.memory_space<vmem>>, vector<16xf32>,
    } {sc.loop_unroll_factor = 1 : i64, sc.parallel_access}
    %dma_start3A_99 = arith.constant 3 : i32
    %dma_start3A_100 = arith.constant 0 : i32
    %dma_start3A_101 = tpu.memref_slice %arg9[%dma_start3A_99, %dma_start3A_100] : memref<4x128xi32, #tpu.memory_space<vmem>> -> memref<1x128xi32, #tpu.memory_space<vmem>>
    %dma_start3A_102 = tpu.memref_squeeze %dma_start3A_101 : memref<1x128xi32, #tpu.memory_space<vmem>> -> memref<128xi32, #tpu.memory_space<vmem>>
    %dma_start3A_103 = arith.constant 0 : i32
    %dma_start3A_104 = arith.constant 0 : i32
    %dma_start3A_105 = tpu.memref_slice %arg4[%dma_start3A_103, %dma_start3A_104] : memref<100000x128xf32, #tpu.memory_space<hbm>> -> memref<100000x128xf32, #tpu.memory_space<hbm>>
    tpu.enqueue_indirect_dma source(%dma_start3A_105 : memref<100000x128xf32, #tpu.memory_space<hbm>>) target(%arg12 : memref<128x128xf32, #tpu.memory_space<vmem>>) offsets(%dma_start3A_102 : memref<128xi32, #tpu.memory_space<vmem>>) semaphore(%arg20 : memref<!tpu.dma_semaphore, #tpu.memory_space<semaphore_mem>>)
    %dma_start3A_106 = arith.constant 3 : i32
    %dma_start3A_107 = arith.constant 0 : i32
    %dma_start3A_108 = tpu.memref_slice %arg10[%dma_start3A_106, %dma_start3A_107] : memref<4x128xi32, #tpu.memory_space<vmem>> -> memref<1x128xi32, #tpu.memory_space<vmem>>
    %dma_start3A_109 = tpu.memref_squeeze %dma_start3A_108 : memref<1x128xi32, #tpu.memory_space<vmem>> -> memref<128xi32, #tpu.memory_space<vmem>>
    %dma_start3A_110 = arith.constant 0 : i32
    %dma_start3A_111 = arith.constant 0 : i32
    %dma_start3A_112 = tpu.memref_slice %arg5[%dma_start3A_110, %dma_start3A_111] : memref<1000000x128xf32, #tpu.memory_space<hbm>> -> memref<1000000x128xf32, #tpu.memory_space<hbm>>
    tpu.enqueue_indirect_dma source(%dma_start3A_112 : memref<1000000x128xf32, #tpu.memory_space<hbm>>) target(%arg14 : memref<128x128xf32, #tpu.memory_space<vmem>>) offsets(%dma_start3A_109 : memref<128xi32, #tpu.memory_space<vmem>>) semaphore(%arg22 : memref<!tpu.dma_semaphore, #tpu.memory_space<semaphore_mem>>)
    %dma_wait3A_113 = arith.constant 2 : i32
    %dma_wait3A_114 = arith.constant 0 : i32
    %dma_wait3A_115 = tpu.memref_slice %arg9[%dma_wait3A_113, %dma_wait3A_114] : memref<4x128xi32, #tpu.memory_space<vmem>> -> memref<1x128xi32, #tpu.memory_space<vmem>>
    %dma_wait3A_116 = tpu.memref_squeeze %dma_wait3A_115 : memref<1x128xi32, #tpu.memory_space<vmem>> -> memref<128xi32, #tpu.memory_space<vmem>>
    %dma_wait3A_117 = arith.constant 0 : i32
    %dma_wait3A_118 = arith.constant 0 : i32
    %dma_wait3A_119 = tpu.memref_slice %arg4[%dma_wait3A_117, %dma_wait3A_118] : memref<100000x128xf32, #tpu.memory_space<hbm>> -> memref<100000x128xf32, #tpu.memory_space<hbm>>
    tpu.wait_indirect_dma semaphore(%arg19 : memref<!tpu.dma_semaphore, #tpu.memory_space<semaphore_mem>>) src(%dma_wait3A_119 : memref<100000x128xf32, #tpu.memory_space<hbm>>) dst(%arg11 : memref<128x128xf32, #tpu.memory_space<vmem>>)
    %dma_wait3A_120 = arith.constant 2 : i32
    %dma_wait3A_121 = arith.constant 0 : i32
    %dma_wait3A_122 = tpu.memref_slice %arg10[%dma_wait3A_120, %dma_wait3A_121] : memref<4x128xi32, #tpu.memory_space<vmem>> -> memref<1x128xi32, #tpu.memory_space<vmem>>
    %dma_wait3A_123 = tpu.memref_squeeze %dma_wait3A_122 : memref<1x128xi32, #tpu.memory_space<vmem>> -> memref<128xi32, #tpu.memory_space<vmem>>
    %dma_wait3A_124 = arith.constant 0 : i32
    %dma_wait3A_125 = arith.constant 0 : i32
    %dma_wait3A_126 = tpu.memref_slice %arg5[%dma_wait3A_124, %dma_wait3A_125] : memref<1000000x128xf32, #tpu.memory_space<hbm>> -> memref<1000000x128xf32, #tpu.memory_space<hbm>>
    tpu.wait_indirect_dma semaphore(%arg21 : memref<!tpu.dma_semaphore, #tpu.memory_space<semaphore_mem>>) src(%dma_wait3A_126 : memref<1000000x128xf32, #tpu.memory_space<hbm>>) dst(%arg13 : memref<128x128xf32, #tpu.memory_space<vmem>>)
    %parallel_loop3A_127 = arith.constant 0 : i32
    %parallel_loop3A_128 = arith.constant 128 : i32
    %parallel_loop3A_129 = arith.constant 1 : i32
    scf.for %parallel_loop3A_153 = %parallel_loop3A_127 to %parallel_loop3A_128 step %parallel_loop3A_129  : i32 {
      %parallel_loop3A_154 = arith.index_cast %parallel_loop3A_153 : i32 to index
      %parallel_loop3A_155 = arith.constant 0 : index
      %parallel_loop3A_156 = tpu.vector_load %arg11[%parallel_loop3A_154, %parallel_loop3A_155] {strides = array<i32>} : memref<128x128xf32, #tpu.memory_space<vmem>>, vector<16xf32>,
      %parallel_loop3A_157 = arith.index_cast %parallel_loop3A_153 : i32 to index
      %parallel_loop3A_158 = arith.constant 0 : index
      %parallel_loop3A_159 = tpu.vector_load %arg13[%parallel_loop3A_157, %parallel_loop3A_158] {strides = array<i32>} : memref<128x128xf32, #tpu.memory_space<vmem>>, vector<16xf32>,
      %parallel_loop3A_160 = arith.mulf %parallel_loop3A_156, %parallel_loop3A_159 : vector<16xf32>
      %parallel_loop3A_161 = arith.mulf %parallel_loop3A_160, %get3A_5 : vector<16xf32>
      %parallel_loop3A_162 = arith.index_cast %parallel_loop3A_153 : i32 to index
      %parallel_loop3A_163 = arith.constant 16 : index
      %parallel_loop3A_164 = tpu.vector_load %arg11[%parallel_loop3A_162, %parallel_loop3A_163] {strides = array<i32>} : memref<128x128xf32, #tpu.memory_space<vmem>>, vector<16xf32>,
      %parallel_loop3A_165 = arith.index_cast %parallel_loop3A_153 : i32 to index
      %parallel_loop3A_166 = arith.constant 16 : index
      %parallel_loop3A_167 = tpu.vector_load %arg13[%parallel_loop3A_165, %parallel_loop3A_166] {strides = array<i32>} : memref<128x128xf32, #tpu.memory_space<vmem>>, vector<16xf32>,
      %parallel_loop3A_168 = arith.mulf %parallel_loop3A_164, %parallel_loop3A_167 : vector<16xf32>
      %parallel_loop3A_169 = arith.mulf %parallel_loop3A_168, %get3A_7 : vector<16xf32>
      %parallel_loop3A_170 = arith.addf %parallel_loop3A_161, %parallel_loop3A_169 : vector<16xf32>
      %parallel_loop3A_171 = arith.index_cast %parallel_loop3A_153 : i32 to index
      %parallel_loop3A_172 = arith.constant 32 : index
      %parallel_loop3A_173 = tpu.vector_load %arg11[%parallel_loop3A_171, %parallel_loop3A_172] {strides = array<i32>} : memref<128x128xf32, #tpu.memory_space<vmem>>, vector<16xf32>,
      %parallel_loop3A_174 = arith.index_cast %parallel_loop3A_153 : i32 to index
      %parallel_loop3A_175 = arith.constant 32 : index
      %parallel_loop3A_176 = tpu.vector_load %arg13[%parallel_loop3A_174, %parallel_loop3A_175] {strides = array<i32>} : memref<128x128xf32, #tpu.memory_space<vmem>>, vector<16xf32>,
      %parallel_loop3A_177 = arith.mulf %parallel_loop3A_173, %parallel_loop3A_176 : vector<16xf32>
      %parallel_loop3A_178 = arith.mulf %parallel_loop3A_177, %get3A_9 : vector<16xf32>
      %parallel_loop3A_179 = arith.addf %parallel_loop3A_170, %parallel_loop3A_178 : vector<16xf32>
      %parallel_loop3A_180 = arith.index_cast %parallel_loop3A_153 : i32 to index
      %parallel_loop3A_181 = arith.constant 48 : index
      %parallel_loop3A_182 = tpu.vector_load %arg11[%parallel_loop3A_180, %parallel_loop3A_181] {strides = array<i32>} : memref<128x128xf32, #tpu.memory_space<vmem>>, vector<16xf32>,
      %parallel_loop3A_183 = arith.index_cast %parallel_loop3A_153 : i32 to index
      %parallel_loop3A_184 = arith.constant 48 : index
      %parallel_loop3A_185 = tpu.vector_load %arg13[%parallel_loop3A_183, %parallel_loop3A_184] {strides = array<i32>} : memref<128x128xf32, #tpu.memory_space<vmem>>, vector<16xf32>,
      %parallel_loop3A_186 = arith.mulf %parallel_loop3A_182, %parallel_loop3A_185 : vector<16xf32>
      %parallel_loop3A_187 = arith.mulf %parallel_loop3A_186, %get3A_11 : vector<16xf32>
      %parallel_loop3A_188 = arith.addf %parallel_loop3A_179, %parallel_loop3A_187 : vector<16xf32>
      %parallel_loop3A_189 = arith.index_cast %parallel_loop3A_153 : i32 to index
      %parallel_loop3A_190 = arith.constant 64 : index
      %parallel_loop3A_191 = tpu.vector_load %arg11[%parallel_loop3A_189, %parallel_loop3A_190] {strides = array<i32>} : memref<128x128xf32, #tpu.memory_space<vmem>>, vector<16xf32>,
      %parallel_loop3A_192 = arith.index_cast %parallel_loop3A_153 : i32 to index
      %parallel_loop3A_193 = arith.constant 64 : index
      %parallel_loop3A_194 = tpu.vector_load %arg13[%parallel_loop3A_192, %parallel_loop3A_193] {strides = array<i32>} : memref<128x128xf32, #tpu.memory_space<vmem>>, vector<16xf32>,
      %parallel_loop3A_195 = arith.mulf %parallel_loop3A_191, %parallel_loop3A_194 : vector<16xf32>
      %parallel_loop3A_196 = arith.mulf %parallel_loop3A_195, %get3A_13 : vector<16xf32>
      %parallel_loop3A_197 = arith.addf %parallel_loop3A_188, %parallel_loop3A_196 : vector<16xf32>
      %parallel_loop3A_198 = arith.index_cast %parallel_loop3A_153 : i32 to index
      %parallel_loop3A_199 = arith.constant 80 : index
      %parallel_loop3A_200 = tpu.vector_load %arg11[%parallel_loop3A_198, %parallel_loop3A_199] {strides = array<i32>} : memref<128x128xf32, #tpu.memory_space<vmem>>, vector<16xf32>,
      %parallel_loop3A_201 = arith.index_cast %parallel_loop3A_153 : i32 to index
      %parallel_loop3A_202 = arith.constant 80 : index
      %parallel_loop3A_203 = tpu.vector_load %arg13[%parallel_loop3A_201, %parallel_loop3A_202] {strides = array<i32>} : memref<128x128xf32, #tpu.memory_space<vmem>>, vector<16xf32>,
      %parallel_loop3A_204 = arith.mulf %parallel_loop3A_200, %parallel_loop3A_203 : vector<16xf32>
      %parallel_loop3A_205 = arith.mulf %parallel_loop3A_204, %get3A_15 : vector<16xf32>
      %parallel_loop3A_206 = arith.addf %parallel_loop3A_197, %parallel_loop3A_205 : vector<16xf32>
      %parallel_loop3A_207 = arith.index_cast %parallel_loop3A_153 : i32 to index
      %parallel_loop3A_208 = arith.constant 96 : index
      %parallel_loop3A_209 = tpu.vector_load %arg11[%parallel_loop3A_207, %parallel_loop3A_208] {strides = array<i32>} : memref<128x128xf32, #tpu.memory_space<vmem>>, vector<16xf32>,
      %parallel_loop3A_210 = arith.index_cast %parallel_loop3A_153 : i32 to index
      %parallel_loop3A_211 = arith.constant 96 : index
      %parallel_loop3A_212 = tpu.vector_load %arg13[%parallel_loop3A_210, %parallel_loop3A_211] {strides = array<i32>} : memref<128x128xf32, #tpu.memory_space<vmem>>, vector<16xf32>,
      %parallel_loop3A_213 = arith.mulf %parallel_loop3A_209, %parallel_loop3A_212 : vector<16xf32>
      %parallel_loop3A_214 = arith.mulf %parallel_loop3A_213, %get3A_17 : vector<16xf32>
      %parallel_loop3A_215 = arith.addf %parallel_loop3A_206, %parallel_loop3A_214 : vector<16xf32>
      %parallel_loop3A_216 = arith.index_cast %parallel_loop3A_153 : i32 to index
      %parallel_loop3A_217 = arith.constant 112 : index
      %parallel_loop3A_218 = tpu.vector_load %arg11[%parallel_loop3A_216, %parallel_loop3A_217] {strides = array<i32>} : memref<128x128xf32, #tpu.memory_space<vmem>>, vector<16xf32>,
      %parallel_loop3A_219 = arith.index_cast %parallel_loop3A_153 : i32 to index
      %parallel_loop3A_220 = arith.constant 112 : index
      %parallel_loop3A_221 = tpu.vector_load %arg13[%parallel_loop3A_219, %parallel_loop3A_220] {strides = array<i32>} : memref<128x128xf32, #tpu.memory_space<vmem>>, vector<16xf32>,
      %parallel_loop3A_222 = arith.mulf %parallel_loop3A_218, %parallel_loop3A_221 : vector<16xf32>
      %parallel_loop3A_223 = arith.mulf %parallel_loop3A_222, %get3A_19 : vector<16xf32>
      %parallel_loop3A_224 = arith.addf %parallel_loop3A_215, %parallel_loop3A_223 : vector<16xf32>
      %parallel_loop3A_225 = arith.index_cast %parallel_loop3A_153 : i32 to index
      %parallel_loop3A_226 = arith.constant 0 : index
      %parallel_loop3A_227 = tpu.vector_load %arg18[%parallel_loop3A_225, %parallel_loop3A_226] {strides = array<i32>} : memref<128x16xf32, #tpu.memory_space<vmem>>, vector<16xf32>,
      tpu.vector_store %arg18[%parallel_loop3A_225, %parallel_loop3A_226], %parallel_loop3A_224 {strides = array<i32>} : memref<128x16xf32, #tpu.memory_space<vmem>>, vector<16xf32>,
    } {sc.loop_unroll_factor = 1 : i64, sc.parallel_access}
    %parallel_loop3A_130 = arith.constant 0 : i32
    %parallel_loop3A_131 = arith.constant 8 : i32
    %parallel_loop3A_132 = arith.constant 1 : i32
    scf.for %parallel_loop3A_153 = %parallel_loop3A_130 to %parallel_loop3A_131 step %parallel_loop3A_132  : i32 {
      %parallel_loop3A_154 = arith.constant 16 : i32
      %parallel_loop3A_155 = arith.muli %parallel_loop3A_153, %parallel_loop3A_154 : i32
      %parallel_loop3A_156 = vector.broadcast %parallel_loop3A_155 : i32 to vector<16xi32>
      %parallel_loop3A_157 = arith.addi %iota3A, %parallel_loop3A_156 : vector<16xi32>
      %parallel_loop3A_158 = arith.constant 0 : i32
      %parallel_loop3A_159 = vector.broadcast %parallel_loop3A_158 : i32 to vector<16xi32>
      %parallel_loop3A_160 = tpu.vector_load_idx %arg18[%parallel_loop3A_157, %parallel_loop3A_159] : memref<128x16xf32, #tpu.memory_space<vmem>>[vector<16xi32>, vector<16xi32>], vector<16xf32>,
      %parallel_loop3A_161 = arith.constant 1 : i32
      %parallel_loop3A_162 = vector.broadcast %parallel_loop3A_161 : i32 to vector<16xi32>
      %parallel_loop3A_163 = tpu.vector_load_idx %arg18[%parallel_loop3A_157, %parallel_loop3A_162] : memref<128x16xf32, #tpu.memory_space<vmem>>[vector<16xi32>, vector<16xi32>], vector<16xf32>,
      %parallel_loop3A_164 = arith.constant 2 : i32
      %parallel_loop3A_165 = vector.broadcast %parallel_loop3A_164 : i32 to vector<16xi32>
      %parallel_loop3A_166 = tpu.vector_load_idx %arg18[%parallel_loop3A_157, %parallel_loop3A_165] : memref<128x16xf32, #tpu.memory_space<vmem>>[vector<16xi32>, vector<16xi32>], vector<16xf32>,
      %parallel_loop3A_167 = arith.constant 3 : i32
      %parallel_loop3A_168 = vector.broadcast %parallel_loop3A_167 : i32 to vector<16xi32>
      %parallel_loop3A_169 = tpu.vector_load_idx %arg18[%parallel_loop3A_157, %parallel_loop3A_168] : memref<128x16xf32, #tpu.memory_space<vmem>>[vector<16xi32>, vector<16xi32>], vector<16xf32>,
      %parallel_loop3A_170 = arith.constant 4 : i32
      %parallel_loop3A_171 = vector.broadcast %parallel_loop3A_170 : i32 to vector<16xi32>
      %parallel_loop3A_172 = tpu.vector_load_idx %arg18[%parallel_loop3A_157, %parallel_loop3A_171] : memref<128x16xf32, #tpu.memory_space<vmem>>[vector<16xi32>, vector<16xi32>], vector<16xf32>,
      %parallel_loop3A_173 = arith.constant 5 : i32
      %parallel_loop3A_174 = vector.broadcast %parallel_loop3A_173 : i32 to vector<16xi32>
      %parallel_loop3A_175 = tpu.vector_load_idx %arg18[%parallel_loop3A_157, %parallel_loop3A_174] : memref<128x16xf32, #tpu.memory_space<vmem>>[vector<16xi32>, vector<16xi32>], vector<16xf32>,
      %parallel_loop3A_176 = arith.constant 6 : i32
      %parallel_loop3A_177 = vector.broadcast %parallel_loop3A_176 : i32 to vector<16xi32>
      %parallel_loop3A_178 = tpu.vector_load_idx %arg18[%parallel_loop3A_157, %parallel_loop3A_177] : memref<128x16xf32, #tpu.memory_space<vmem>>[vector<16xi32>, vector<16xi32>], vector<16xf32>,
      %parallel_loop3A_179 = arith.constant 7 : i32
      %parallel_loop3A_180 = vector.broadcast %parallel_loop3A_179 : i32 to vector<16xi32>
      %parallel_loop3A_181 = tpu.vector_load_idx %arg18[%parallel_loop3A_157, %parallel_loop3A_180] : memref<128x16xf32, #tpu.memory_space<vmem>>[vector<16xi32>, vector<16xi32>], vector<16xf32>,
      %parallel_loop3A_182 = arith.constant 8 : i32
      %parallel_loop3A_183 = vector.broadcast %parallel_loop3A_182 : i32 to vector<16xi32>
      %parallel_loop3A_184 = tpu.vector_load_idx %arg18[%parallel_loop3A_157, %parallel_loop3A_183] : memref<128x16xf32, #tpu.memory_space<vmem>>[vector<16xi32>, vector<16xi32>], vector<16xf32>,
      %parallel_loop3A_185 = arith.constant 9 : i32
      %parallel_loop3A_186 = vector.broadcast %parallel_loop3A_185 : i32 to vector<16xi32>
      %parallel_loop3A_187 = tpu.vector_load_idx %arg18[%parallel_loop3A_157, %parallel_loop3A_186] : memref<128x16xf32, #tpu.memory_space<vmem>>[vector<16xi32>, vector<16xi32>], vector<16xf32>,
      %parallel_loop3A_188 = arith.constant 10 : i32
      %parallel_loop3A_189 = vector.broadcast %parallel_loop3A_188 : i32 to vector<16xi32>
      %parallel_loop3A_190 = tpu.vector_load_idx %arg18[%parallel_loop3A_157, %parallel_loop3A_189] : memref<128x16xf32, #tpu.memory_space<vmem>>[vector<16xi32>, vector<16xi32>], vector<16xf32>,
      %parallel_loop3A_191 = arith.constant 11 : i32
      %parallel_loop3A_192 = vector.broadcast %parallel_loop3A_191 : i32 to vector<16xi32>
      %parallel_loop3A_193 = tpu.vector_load_idx %arg18[%parallel_loop3A_157, %parallel_loop3A_192] : memref<128x16xf32, #tpu.memory_space<vmem>>[vector<16xi32>, vector<16xi32>], vector<16xf32>,
      %parallel_loop3A_194 = arith.constant 12 : i32
      %parallel_loop3A_195 = vector.broadcast %parallel_loop3A_194 : i32 to vector<16xi32>
      %parallel_loop3A_196 = tpu.vector_load_idx %arg18[%parallel_loop3A_157, %parallel_loop3A_195] : memref<128x16xf32, #tpu.memory_space<vmem>>[vector<16xi32>, vector<16xi32>], vector<16xf32>,
      %parallel_loop3A_197 = arith.constant 13 : i32
      %parallel_loop3A_198 = vector.broadcast %parallel_loop3A_197 : i32 to vector<16xi32>
      %parallel_loop3A_199 = tpu.vector_load_idx %arg18[%parallel_loop3A_157, %parallel_loop3A_198] : memref<128x16xf32, #tpu.memory_space<vmem>>[vector<16xi32>, vector<16xi32>], vector<16xf32>,
      %parallel_loop3A_200 = arith.constant 14 : i32
      %parallel_loop3A_201 = vector.broadcast %parallel_loop3A_200 : i32 to vector<16xi32>
      %parallel_loop3A_202 = tpu.vector_load_idx %arg18[%parallel_loop3A_157, %parallel_loop3A_201] : memref<128x16xf32, #tpu.memory_space<vmem>>[vector<16xi32>, vector<16xi32>], vector<16xf32>,
      %parallel_loop3A_203 = arith.constant 15 : i32
      %parallel_loop3A_204 = vector.broadcast %parallel_loop3A_203 : i32 to vector<16xi32>
      %parallel_loop3A_205 = tpu.vector_load_idx %arg18[%parallel_loop3A_157, %parallel_loop3A_204] : memref<128x16xf32, #tpu.memory_space<vmem>>[vector<16xi32>, vector<16xi32>], vector<16xf32>,
      %parallel_loop3A_206 = arith.addf %parallel_loop3A_160, %parallel_loop3A_163 : vector<16xf32>
      %parallel_loop3A_207 = arith.addf %parallel_loop3A_166, %parallel_loop3A_169 : vector<16xf32>
      %parallel_loop3A_208 = arith.addf %parallel_loop3A_172, %parallel_loop3A_175 : vector<16xf32>
      %parallel_loop3A_209 = arith.addf %parallel_loop3A_178, %parallel_loop3A_181 : vector<16xf32>
      %parallel_loop3A_210 = arith.addf %parallel_loop3A_184, %parallel_loop3A_187 : vector<16xf32>
      %parallel_loop3A_211 = arith.addf %parallel_loop3A_190, %parallel_loop3A_193 : vector<16xf32>
      %parallel_loop3A_212 = arith.addf %parallel_loop3A_196, %parallel_loop3A_199 : vector<16xf32>
      %parallel_loop3A_213 = arith.addf %parallel_loop3A_202, %parallel_loop3A_205 : vector<16xf32>
      %parallel_loop3A_214 = arith.addf %parallel_loop3A_206, %parallel_loop3A_207 : vector<16xf32>
      %parallel_loop3A_215 = arith.addf %parallel_loop3A_208, %parallel_loop3A_209 : vector<16xf32>
      %parallel_loop3A_216 = arith.addf %parallel_loop3A_210, %parallel_loop3A_211 : vector<16xf32>
      %parallel_loop3A_217 = arith.addf %parallel_loop3A_212, %parallel_loop3A_213 : vector<16xf32>
      %parallel_loop3A_218 = arith.addf %parallel_loop3A_214, %parallel_loop3A_215 : vector<16xf32>
      %parallel_loop3A_219 = arith.addf %parallel_loop3A_216, %parallel_loop3A_217 : vector<16xf32>
      %parallel_loop3A_220 = arith.addf %parallel_loop3A_218, %parallel_loop3A_219 : vector<16xf32>
      %parallel_loop3A_221 = arith.addf %parallel_loop3A_220, %get3A_3 : vector<16xf32>
      %parallel_loop3A_222 = arith.constant 16 : i32
      %parallel_loop3A_223 = arith.muli %parallel_loop3A_153, %parallel_loop3A_222 : i32
      %parallel_loop3A_224 = arith.constant 2 : i32
      %parallel_loop3A_225 = arith.index_cast %parallel_loop3A_224 : i32 to index
      %parallel_loop3A_226 = arith.index_cast %parallel_loop3A_223 : i32 to index
      %parallel_loop3A_227 = tpu.vector_load %arg15[%parallel_loop3A_225, %parallel_loop3A_226] {strides = array<i32>} : memref<4x128xf32, #tpu.memory_space<vmem>>, vector<16xf32>,
      tpu.vector_store %arg15[%parallel_loop3A_225, %parallel_loop3A_226], %parallel_loop3A_221 {strides = array<i32>} : memref<4x128xf32, #tpu.memory_space<vmem>>, vector<16xf32>,
    } {sc.loop_unroll_factor = 1 : i64, sc.parallel_access}
    %dma_wait3A_133 = arith.constant 3 : i32
    %dma_wait3A_134 = arith.constant 0 : i32
    %dma_wait3A_135 = tpu.memref_slice %arg9[%dma_wait3A_133, %dma_wait3A_134] : memref<4x128xi32, #tpu.memory_space<vmem>> -> memref<1x128xi32, #tpu.memory_space<vmem>>
    %dma_wait3A_136 = tpu.memref_squeeze %dma_wait3A_135 : memref<1x128xi32, #tpu.memory_space<vmem>> -> memref<128xi32, #tpu.memory_space<vmem>>
    %dma_wait3A_137 = arith.constant 0 : i32
    %dma_wait3A_138 = arith.constant 0 : i32
    %dma_wait3A_139 = tpu.memref_slice %arg4[%dma_wait3A_137, %dma_wait3A_138] : memref<100000x128xf32, #tpu.memory_space<hbm>> -> memref<100000x128xf32, #tpu.memory_space<hbm>>
    tpu.wait_indirect_dma semaphore(%arg20 : memref<!tpu.dma_semaphore, #tpu.memory_space<semaphore_mem>>) src(%dma_wait3A_139 : memref<100000x128xf32, #tpu.memory_space<hbm>>) dst(%arg12 : memref<128x128xf32, #tpu.memory_space<vmem>>)
    %dma_wait3A_140 = arith.constant 3 : i32
    %dma_wait3A_141 = arith.constant 0 : i32
    %dma_wait3A_142 = tpu.memref_slice %arg10[%dma_wait3A_140, %dma_wait3A_141] : memref<4x128xi32, #tpu.memory_space<vmem>> -> memref<1x128xi32, #tpu.memory_space<vmem>>
    %dma_wait3A_143 = tpu.memref_squeeze %dma_wait3A_142 : memref<1x128xi32, #tpu.memory_space<vmem>> -> memref<128xi32, #tpu.memory_space<vmem>>
    %dma_wait3A_144 = arith.constant 0 : i32
    %dma_wait3A_145 = arith.constant 0 : i32
    %dma_wait3A_146 = tpu.memref_slice %arg5[%dma_wait3A_144, %dma_wait3A_145] : memref<1000000x128xf32, #tpu.memory_space<hbm>> -> memref<1000000x128xf32, #tpu.memory_space<hbm>>
    tpu.wait_indirect_dma semaphore(%arg22 : memref<!tpu.dma_semaphore, #tpu.memory_space<semaphore_mem>>) src(%dma_wait3A_146 : memref<1000000x128xf32, #tpu.memory_space<hbm>>) dst(%arg14 : memref<128x128xf32, #tpu.memory_space<vmem>>)
    %parallel_loop3A_147 = arith.constant 0 : i32
    %parallel_loop3A_148 = arith.constant 128 : i32
    %parallel_loop3A_149 = arith.constant 1 : i32
    scf.for %parallel_loop3A_153 = %parallel_loop3A_147 to %parallel_loop3A_148 step %parallel_loop3A_149  : i32 {
      %parallel_loop3A_154 = arith.index_cast %parallel_loop3A_153 : i32 to index
      %parallel_loop3A_155 = arith.constant 0 : index
      %parallel_loop3A_156 = tpu.vector_load %arg12[%parallel_loop3A_154, %parallel_loop3A_155] {strides = array<i32>} : memref<128x128xf32, #tpu.memory_space<vmem>>, vector<16xf32>,
      %parallel_loop3A_157 = arith.index_cast %parallel_loop3A_153 : i32 to index
      %parallel_loop3A_158 = arith.constant 0 : index
      %parallel_loop3A_159 = tpu.vector_load %arg14[%parallel_loop3A_157, %parallel_loop3A_158] {strides = array<i32>} : memref<128x128xf32, #tpu.memory_space<vmem>>, vector<16xf32>,
      %parallel_loop3A_160 = arith.mulf %parallel_loop3A_156, %parallel_loop3A_159 : vector<16xf32>
      %parallel_loop3A_161 = arith.mulf %parallel_loop3A_160, %get3A_5 : vector<16xf32>
      %parallel_loop3A_162 = arith.index_cast %parallel_loop3A_153 : i32 to index
      %parallel_loop3A_163 = arith.constant 16 : index
      %parallel_loop3A_164 = tpu.vector_load %arg12[%parallel_loop3A_162, %parallel_loop3A_163] {strides = array<i32>} : memref<128x128xf32, #tpu.memory_space<vmem>>, vector<16xf32>,
      %parallel_loop3A_165 = arith.index_cast %parallel_loop3A_153 : i32 to index
      %parallel_loop3A_166 = arith.constant 16 : index
      %parallel_loop3A_167 = tpu.vector_load %arg14[%parallel_loop3A_165, %parallel_loop3A_166] {strides = array<i32>} : memref<128x128xf32, #tpu.memory_space<vmem>>, vector<16xf32>,
      %parallel_loop3A_168 = arith.mulf %parallel_loop3A_164, %parallel_loop3A_167 : vector<16xf32>
      %parallel_loop3A_169 = arith.mulf %parallel_loop3A_168, %get3A_7 : vector<16xf32>
      %parallel_loop3A_170 = arith.addf %parallel_loop3A_161, %parallel_loop3A_169 : vector<16xf32>
      %parallel_loop3A_171 = arith.index_cast %parallel_loop3A_153 : i32 to index
      %parallel_loop3A_172 = arith.constant 32 : index
      %parallel_loop3A_173 = tpu.vector_load %arg12[%parallel_loop3A_171, %parallel_loop3A_172] {strides = array<i32>} : memref<128x128xf32, #tpu.memory_space<vmem>>, vector<16xf32>,
      %parallel_loop3A_174 = arith.index_cast %parallel_loop3A_153 : i32 to index
      %parallel_loop3A_175 = arith.constant 32 : index
      %parallel_loop3A_176 = tpu.vector_load %arg14[%parallel_loop3A_174, %parallel_loop3A_175] {strides = array<i32>} : memref<128x128xf32, #tpu.memory_space<vmem>>, vector<16xf32>,
      %parallel_loop3A_177 = arith.mulf %parallel_loop3A_173, %parallel_loop3A_176 : vector<16xf32>
      %parallel_loop3A_178 = arith.mulf %parallel_loop3A_177, %get3A_9 : vector<16xf32>
      %parallel_loop3A_179 = arith.addf %parallel_loop3A_170, %parallel_loop3A_178 : vector<16xf32>
      %parallel_loop3A_180 = arith.index_cast %parallel_loop3A_153 : i32 to index
      %parallel_loop3A_181 = arith.constant 48 : index
      %parallel_loop3A_182 = tpu.vector_load %arg12[%parallel_loop3A_180, %parallel_loop3A_181] {strides = array<i32>} : memref<128x128xf32, #tpu.memory_space<vmem>>, vector<16xf32>,
      %parallel_loop3A_183 = arith.index_cast %parallel_loop3A_153 : i32 to index
      %parallel_loop3A_184 = arith.constant 48 : index
      %parallel_loop3A_185 = tpu.vector_load %arg14[%parallel_loop3A_183, %parallel_loop3A_184] {strides = array<i32>} : memref<128x128xf32, #tpu.memory_space<vmem>>, vector<16xf32>,
      %parallel_loop3A_186 = arith.mulf %parallel_loop3A_182, %parallel_loop3A_185 : vector<16xf32>
      %parallel_loop3A_187 = arith.mulf %parallel_loop3A_186, %get3A_11 : vector<16xf32>
      %parallel_loop3A_188 = arith.addf %parallel_loop3A_179, %parallel_loop3A_187 : vector<16xf32>
      %parallel_loop3A_189 = arith.index_cast %parallel_loop3A_153 : i32 to index
      %parallel_loop3A_190 = arith.constant 64 : index
      %parallel_loop3A_191 = tpu.vector_load %arg12[%parallel_loop3A_189, %parallel_loop3A_190] {strides = array<i32>} : memref<128x128xf32, #tpu.memory_space<vmem>>, vector<16xf32>,
      %parallel_loop3A_192 = arith.index_cast %parallel_loop3A_153 : i32 to index
      %parallel_loop3A_193 = arith.constant 64 : index
      %parallel_loop3A_194 = tpu.vector_load %arg14[%parallel_loop3A_192, %parallel_loop3A_193] {strides = array<i32>} : memref<128x128xf32, #tpu.memory_space<vmem>>, vector<16xf32>,
      %parallel_loop3A_195 = arith.mulf %parallel_loop3A_191, %parallel_loop3A_194 : vector<16xf32>
      %parallel_loop3A_196 = arith.mulf %parallel_loop3A_195, %get3A_13 : vector<16xf32>
      %parallel_loop3A_197 = arith.addf %parallel_loop3A_188, %parallel_loop3A_196 : vector<16xf32>
      %parallel_loop3A_198 = arith.index_cast %parallel_loop3A_153 : i32 to index
      %parallel_loop3A_199 = arith.constant 80 : index
      %parallel_loop3A_200 = tpu.vector_load %arg12[%parallel_loop3A_198, %parallel_loop3A_199] {strides = array<i32>} : memref<128x128xf32, #tpu.memory_space<vmem>>, vector<16xf32>,
      %parallel_loop3A_201 = arith.index_cast %parallel_loop3A_153 : i32 to index
      %parallel_loop3A_202 = arith.constant 80 : index
      %parallel_loop3A_203 = tpu.vector_load %arg14[%parallel_loop3A_201, %parallel_loop3A_202] {strides = array<i32>} : memref<128x128xf32, #tpu.memory_space<vmem>>, vector<16xf32>,
      %parallel_loop3A_204 = arith.mulf %parallel_loop3A_200, %parallel_loop3A_203 : vector<16xf32>
      %parallel_loop3A_205 = arith.mulf %parallel_loop3A_204, %get3A_15 : vector<16xf32>
      %parallel_loop3A_206 = arith.addf %parallel_loop3A_197, %parallel_loop3A_205 : vector<16xf32>
      %parallel_loop3A_207 = arith.index_cast %parallel_loop3A_153 : i32 to index
      %parallel_loop3A_208 = arith.constant 96 : index
      %parallel_loop3A_209 = tpu.vector_load %arg12[%parallel_loop3A_207, %parallel_loop3A_208] {strides = array<i32>} : memref<128x128xf32, #tpu.memory_space<vmem>>, vector<16xf32>,
      %parallel_loop3A_210 = arith.index_cast %parallel_loop3A_153 : i32 to index
      %parallel_loop3A_211 = arith.constant 96 : index
      %parallel_loop3A_212 = tpu.vector_load %arg14[%parallel_loop3A_210, %parallel_loop3A_211] {strides = array<i32>} : memref<128x128xf32, #tpu.memory_space<vmem>>, vector<16xf32>,
      %parallel_loop3A_213 = arith.mulf %parallel_loop3A_209, %parallel_loop3A_212 : vector<16xf32>
      %parallel_loop3A_214 = arith.mulf %parallel_loop3A_213, %get3A_17 : vector<16xf32>
      %parallel_loop3A_215 = arith.addf %parallel_loop3A_206, %parallel_loop3A_214 : vector<16xf32>
      %parallel_loop3A_216 = arith.index_cast %parallel_loop3A_153 : i32 to index
      %parallel_loop3A_217 = arith.constant 112 : index
      %parallel_loop3A_218 = tpu.vector_load %arg12[%parallel_loop3A_216, %parallel_loop3A_217] {strides = array<i32>} : memref<128x128xf32, #tpu.memory_space<vmem>>, vector<16xf32>,
      %parallel_loop3A_219 = arith.index_cast %parallel_loop3A_153 : i32 to index
      %parallel_loop3A_220 = arith.constant 112 : index
      %parallel_loop3A_221 = tpu.vector_load %arg14[%parallel_loop3A_219, %parallel_loop3A_220] {strides = array<i32>} : memref<128x128xf32, #tpu.memory_space<vmem>>, vector<16xf32>,
      %parallel_loop3A_222 = arith.mulf %parallel_loop3A_218, %parallel_loop3A_221 : vector<16xf32>
      %parallel_loop3A_223 = arith.mulf %parallel_loop3A_222, %get3A_19 : vector<16xf32>
      %parallel_loop3A_224 = arith.addf %parallel_loop3A_215, %parallel_loop3A_223 : vector<16xf32>
      %parallel_loop3A_225 = arith.index_cast %parallel_loop3A_153 : i32 to index
      %parallel_loop3A_226 = arith.constant 0 : index
      %parallel_loop3A_227 = tpu.vector_load %arg18[%parallel_loop3A_225, %parallel_loop3A_226] {strides = array<i32>} : memref<128x16xf32, #tpu.memory_space<vmem>>, vector<16xf32>,
      tpu.vector_store %arg18[%parallel_loop3A_225, %parallel_loop3A_226], %parallel_loop3A_224 {strides = array<i32>} : memref<128x16xf32, #tpu.memory_space<vmem>>, vector<16xf32>,
    } {sc.loop_unroll_factor = 1 : i64, sc.parallel_access}
    %parallel_loop3A_150 = arith.constant 0 : i32
    %parallel_loop3A_151 = arith.constant 8 : i32
    %parallel_loop3A_152 = arith.constant 1 : i32
    scf.for %parallel_loop3A_153 = %parallel_loop3A_150 to %parallel_loop3A_151 step %parallel_loop3A_152  : i32 {
      %parallel_loop3A_154 = arith.constant 16 : i32
      %parallel_loop3A_155 = arith.muli %parallel_loop3A_153, %parallel_loop3A_154 : i32
      %parallel_loop3A_156 = vector.broadcast %parallel_loop3A_155 : i32 to vector<16xi32>
      %parallel_loop3A_157 = arith.addi %iota3A, %parallel_loop3A_156 : vector<16xi32>
      %parallel_loop3A_158 = arith.constant 0 : i32
      %parallel_loop3A_159 = vector.broadcast %parallel_loop3A_158 : i32 to vector<16xi32>
      %parallel_loop3A_160 = tpu.vector_load_idx %arg18[%parallel_loop3A_157, %parallel_loop3A_159] : memref<128x16xf32, #tpu.memory_space<vmem>>[vector<16xi32>, vector<16xi32>], vector<16xf32>,
      %parallel_loop3A_161 = arith.constant 1 : i32
      %parallel_loop3A_162 = vector.broadcast %parallel_loop3A_161 : i32 to vector<16xi32>
      %parallel_loop3A_163 = tpu.vector_load_idx %arg18[%parallel_loop3A_157, %parallel_loop3A_162] : memref<128x16xf32, #tpu.memory_space<vmem>>[vector<16xi32>, vector<16xi32>], vector<16xf32>,
      %parallel_loop3A_164 = arith.constant 2 : i32
      %parallel_loop3A_165 = vector.broadcast %parallel_loop3A_164 : i32 to vector<16xi32>
      %parallel_loop3A_166 = tpu.vector_load_idx %arg18[%parallel_loop3A_157, %parallel_loop3A_165] : memref<128x16xf32, #tpu.memory_space<vmem>>[vector<16xi32>, vector<16xi32>], vector<16xf32>,
      %parallel_loop3A_167 = arith.constant 3 : i32
      %parallel_loop3A_168 = vector.broadcast %parallel_loop3A_167 : i32 to vector<16xi32>
      %parallel_loop3A_169 = tpu.vector_load_idx %arg18[%parallel_loop3A_157, %parallel_loop3A_168] : memref<128x16xf32, #tpu.memory_space<vmem>>[vector<16xi32>, vector<16xi32>], vector<16xf32>,
      %parallel_loop3A_170 = arith.constant 4 : i32
      %parallel_loop3A_171 = vector.broadcast %parallel_loop3A_170 : i32 to vector<16xi32>
      %parallel_loop3A_172 = tpu.vector_load_idx %arg18[%parallel_loop3A_157, %parallel_loop3A_171] : memref<128x16xf32, #tpu.memory_space<vmem>>[vector<16xi32>, vector<16xi32>], vector<16xf32>,
      %parallel_loop3A_173 = arith.constant 5 : i32
      %parallel_loop3A_174 = vector.broadcast %parallel_loop3A_173 : i32 to vector<16xi32>
      %parallel_loop3A_175 = tpu.vector_load_idx %arg18[%parallel_loop3A_157, %parallel_loop3A_174] : memref<128x16xf32, #tpu.memory_space<vmem>>[vector<16xi32>, vector<16xi32>], vector<16xf32>,
      %parallel_loop3A_176 = arith.constant 6 : i32
      %parallel_loop3A_177 = vector.broadcast %parallel_loop3A_176 : i32 to vector<16xi32>
      %parallel_loop3A_178 = tpu.vector_load_idx %arg18[%parallel_loop3A_157, %parallel_loop3A_177] : memref<128x16xf32, #tpu.memory_space<vmem>>[vector<16xi32>, vector<16xi32>], vector<16xf32>,
      %parallel_loop3A_179 = arith.constant 7 : i32
      %parallel_loop3A_180 = vector.broadcast %parallel_loop3A_179 : i32 to vector<16xi32>
      %parallel_loop3A_181 = tpu.vector_load_idx %arg18[%parallel_loop3A_157, %parallel_loop3A_180] : memref<128x16xf32, #tpu.memory_space<vmem>>[vector<16xi32>, vector<16xi32>], vector<16xf32>,
      %parallel_loop3A_182 = arith.constant 8 : i32
      %parallel_loop3A_183 = vector.broadcast %parallel_loop3A_182 : i32 to vector<16xi32>
      %parallel_loop3A_184 = tpu.vector_load_idx %arg18[%parallel_loop3A_157, %parallel_loop3A_183] : memref<128x16xf32, #tpu.memory_space<vmem>>[vector<16xi32>, vector<16xi32>], vector<16xf32>,
      %parallel_loop3A_185 = arith.constant 9 : i32
      %parallel_loop3A_186 = vector.broadcast %parallel_loop3A_185 : i32 to vector<16xi32>
      %parallel_loop3A_187 = tpu.vector_load_idx %arg18[%parallel_loop3A_157, %parallel_loop3A_186] : memref<128x16xf32, #tpu.memory_space<vmem>>[vector<16xi32>, vector<16xi32>], vector<16xf32>,
      %parallel_loop3A_188 = arith.constant 10 : i32
      %parallel_loop3A_189 = vector.broadcast %parallel_loop3A_188 : i32 to vector<16xi32>
      %parallel_loop3A_190 = tpu.vector_load_idx %arg18[%parallel_loop3A_157, %parallel_loop3A_189] : memref<128x16xf32, #tpu.memory_space<vmem>>[vector<16xi32>, vector<16xi32>], vector<16xf32>,
      %parallel_loop3A_191 = arith.constant 11 : i32
      %parallel_loop3A_192 = vector.broadcast %parallel_loop3A_191 : i32 to vector<16xi32>
      %parallel_loop3A_193 = tpu.vector_load_idx %arg18[%parallel_loop3A_157, %parallel_loop3A_192] : memref<128x16xf32, #tpu.memory_space<vmem>>[vector<16xi32>, vector<16xi32>], vector<16xf32>,
      %parallel_loop3A_194 = arith.constant 12 : i32
      %parallel_loop3A_195 = vector.broadcast %parallel_loop3A_194 : i32 to vector<16xi32>
      %parallel_loop3A_196 = tpu.vector_load_idx %arg18[%parallel_loop3A_157, %parallel_loop3A_195] : memref<128x16xf32, #tpu.memory_space<vmem>>[vector<16xi32>, vector<16xi32>], vector<16xf32>,
      %parallel_loop3A_197 = arith.constant 13 : i32
      %parallel_loop3A_198 = vector.broadcast %parallel_loop3A_197 : i32 to vector<16xi32>
      %parallel_loop3A_199 = tpu.vector_load_idx %arg18[%parallel_loop3A_157, %parallel_loop3A_198] : memref<128x16xf32, #tpu.memory_space<vmem>>[vector<16xi32>, vector<16xi32>], vector<16xf32>,
      %parallel_loop3A_200 = arith.constant 14 : i32
      %parallel_loop3A_201 = vector.broadcast %parallel_loop3A_200 : i32 to vector<16xi32>
      %parallel_loop3A_202 = tpu.vector_load_idx %arg18[%parallel_loop3A_157, %parallel_loop3A_201] : memref<128x16xf32, #tpu.memory_space<vmem>>[vector<16xi32>, vector<16xi32>], vector<16xf32>,
      %parallel_loop3A_203 = arith.constant 15 : i32
      %parallel_loop3A_204 = vector.broadcast %parallel_loop3A_203 : i32 to vector<16xi32>
      %parallel_loop3A_205 = tpu.vector_load_idx %arg18[%parallel_loop3A_157, %parallel_loop3A_204] : memref<128x16xf32, #tpu.memory_space<vmem>>[vector<16xi32>, vector<16xi32>], vector<16xf32>,
      %parallel_loop3A_206 = arith.addf %parallel_loop3A_160, %parallel_loop3A_163 : vector<16xf32>
      %parallel_loop3A_207 = arith.addf %parallel_loop3A_166, %parallel_loop3A_169 : vector<16xf32>
      %parallel_loop3A_208 = arith.addf %parallel_loop3A_172, %parallel_loop3A_175 : vector<16xf32>
      %parallel_loop3A_209 = arith.addf %parallel_loop3A_178, %parallel_loop3A_181 : vector<16xf32>
      %parallel_loop3A_210 = arith.addf %parallel_loop3A_184, %parallel_loop3A_187 : vector<16xf32>
      %parallel_loop3A_211 = arith.addf %parallel_loop3A_190, %parallel_loop3A_193 : vector<16xf32>
      %parallel_loop3A_212 = arith.addf %parallel_loop3A_196, %parallel_loop3A_199 : vector<16xf32>
      %parallel_loop3A_213 = arith.addf %parallel_loop3A_202, %parallel_loop3A_205 : vector<16xf32>
      %parallel_loop3A_214 = arith.addf %parallel_loop3A_206, %parallel_loop3A_207 : vector<16xf32>
      %parallel_loop3A_215 = arith.addf %parallel_loop3A_208, %parallel_loop3A_209 : vector<16xf32>
      %parallel_loop3A_216 = arith.addf %parallel_loop3A_210, %parallel_loop3A_211 : vector<16xf32>
      %parallel_loop3A_217 = arith.addf %parallel_loop3A_212, %parallel_loop3A_213 : vector<16xf32>
      %parallel_loop3A_218 = arith.addf %parallel_loop3A_214, %parallel_loop3A_215 : vector<16xf32>
      %parallel_loop3A_219 = arith.addf %parallel_loop3A_216, %parallel_loop3A_217 : vector<16xf32>
      %parallel_loop3A_220 = arith.addf %parallel_loop3A_218, %parallel_loop3A_219 : vector<16xf32>
      %parallel_loop3A_221 = arith.addf %parallel_loop3A_220, %get3A_3 : vector<16xf32>
      %parallel_loop3A_222 = arith.constant 16 : i32
      %parallel_loop3A_223 = arith.muli %parallel_loop3A_153, %parallel_loop3A_222 : i32
      %parallel_loop3A_224 = arith.constant 3 : i32
      %parallel_loop3A_225 = arith.index_cast %parallel_loop3A_224 : i32 to index
      %parallel_loop3A_226 = arith.index_cast %parallel_loop3A_223 : i32 to index
      %parallel_loop3A_227 = tpu.vector_load %arg15[%parallel_loop3A_225, %parallel_loop3A_226] {strides = array<i32>} : memref<4x128xf32, #tpu.memory_space<vmem>>, vector<16xf32>,
      tpu.vector_store %arg15[%parallel_loop3A_225, %parallel_loop3A_226], %parallel_loop3A_221 {strides = array<i32>} : memref<4x128xf32, #tpu.memory_space<vmem>>, vector<16xf32>,
    } {sc.loop_unroll_factor = 1 : i64, sc.parallel_access}
    "tpu.region"() ({
      %run_scoped3A = tpu.sem_alloc : memref<!tpu.dma_semaphore, #tpu.memory_space<semaphore_mem>>
      %dma_start3A_153 = arith.constant 0 : i32
      %dma_start3A_154 = tpu.memref_slice %arg8[%mul3A_2, %dma_start3A_153] : memref<128x128xf32, #tpu.memory_space<hbm>> -> memref<4x128xf32, #tpu.memory_space<hbm>>
      %dma_start3A_155 = arith.constant 0 : i32
      %dma_start3A_156 = tpu.memref_slice %arg8[%mul3A_2, %dma_start3A_155] : memref<128x128xf32, #tpu.memory_space<hbm>> -> memref<4x128xf32, #tpu.memory_space<hbm>>
      tpu.enqueue_dma source(%arg15 : memref<4x128xf32, #tpu.memory_space<vmem>>) target(%dma_start3A_156 : memref<4x128xf32, #tpu.memory_space<hbm>>) target_semaphore(%run_scoped3A : memref<!tpu.dma_semaphore, #tpu.memory_space<semaphore_mem>>)
      %dma_wait3A_157 = arith.constant 0 : i32
      %dma_wait3A_158 = tpu.memref_slice %arg8[%mul3A_2, %dma_wait3A_157] : memref<128x128xf32, #tpu.memory_space<hbm>> -> memref<4x128xf32, #tpu.memory_space<hbm>>
      %dma_wait3A_159 = arith.constant 0 : i32
      %dma_wait3A_160 = tpu.memref_slice %arg8[%mul3A_2, %dma_wait3A_159] : memref<128x128xf32, #tpu.memory_space<hbm>> -> memref<4x128xf32, #tpu.memory_space<hbm>>
      tpu.wait_dma2 semaphore(%run_scoped3A : memref<!tpu.dma_semaphore, #tpu.memory_space<semaphore_mem>>) src(%arg15 : memref<4x128xf32, #tpu.memory_space<vmem>>) dst(%dma_wait3A_160 : memref<4x128xf32, #tpu.memory_space<hbm>>)
      tpu.yield
    }) : () -> ()
    return
  }
}

</mosaic_0001>

<sc_bundles>
// kernel: _mf.3.cloned.1.call-start
scs
__scs_entry_jumppad:
0x0: {  	(pc) =	sbr.rel $0x88, $3  }
0x1: {  	(tag) =	ssettag $0x0;
	lr =	simm.s32 $0x1  }
0x2: {  	[smem:$0x3F9B] =	sst lr;
	_ =	strace $0xD0000000  }
0x3: {  	_ = 	snop  }
0x4: {  	_ = 	snop  }
0x5: {  	_ = 	snop  }
0x6: {  	_ = 	snop  }
0x7: {  	_ = 	snop  }
__scs_overlays_trampoline_lowered:
0x8: {  	[smem:$0x3FAA] =	sst s0  }
0x9: {  	[smem:$0x3FAB] =	sst s1  }
0xa: {  	[smem:$0x3FAC] =	sst s2  }
0xb: {  	[smem:$0x3FAD] =	sst s3  }
0xc: {  	[smem:$0x3FAE] =	sst s4  }
0xd: {  	[smem:$0x3FAF] =	sst s5  }
0xe: {  	[smem:$0x3FB0] =	sst s6  }
0xf: {  	[smem:$0x3FB1] =	sst s7  }
0x10: {  	[smem:$0x3FB2] =	sst s8  }
0x11: {  	[smem:$0x3FB3] =	sst s9;
	s0 =	simm.s32 @!p0 $0x0  }
0x12: {  	s1 =	sld [smem:$0x3F99];
	s0 =	simm.s32 @p0 $0x1  }
0x13: {  	[smem:$0x3FB4] =	sst s0;
	s0 =	simm.s32 @!p1 $0x0  }
0x14: {  	s2 =	sld [smem:$0x3F98];
	s0 =	simm.s32 @p1 $0x1  }
0x15: {  	[smem:$0x3FB5] =	sst s0;
	s0 =	simm.s32 @!p2 $0x0  }
0x16: {  	s3 =	sld [smem:$0x3FDB];
	s0 =	simm.s32 @p2 $0x1  }
0x17: {  	s4 =	simm.s32 $0x1BF5;
	[smem:$0x3FB7] =	sst s0  }
0x18: {  	s0 =	sld [smem:$0x3F9A];
	_ =	swait.ge [sflag:s4], $0x0  }
0x19: {  	s7 =	sld [smem:$0x3F9B]  }
0x1a: {  	s8 =	sadd.s32 $0xFFFFE003, lr  }
0x1b: {  	s9 =	sadd.s32 $0xFFFFFEF7, lr;
	s5 =	simm.s32 $0xFFFFFFFF;
	p2 =	slt.u32 s8, $0xFFFFF086  }
0x1c: {  	p1 =	slt.u32 s9, $0xF7A;
	s5 =	simm.s32 @!p2 $0x0  }
0x1d: {  	s5 =	simm.s32 @p1 $0x1;
	p0 =	seq.s32 s7, s2  }
0x1e: {  	s7 =	smul.u32 @!p0 $0xF7A, s2;
	p2 =	seq.s32 @!p0 s5, $0x0  }
0x1f: {  	s9 =	smul.u32 $0xF7A, s1;
	s8 =	simm.s32 @!p0 $0x1BF5;
	p2 =	por !p2, p0  }
0x20: {  	[sflag:s8] =	ssyncset.s32 @!p0 $0xFFFFF086;
	s6 =	sadd.s32 @!p0 s3, s7;
	s7 =	simm.s32 @!p0 $0x108  }
0x21: {  	s3 =	sadd.s32 s3, s9;
	s6 =	sadd.s32 @!p0 $0x88, s6;
	s7 =	simm.s32 @p2 $0x1082  }
0x22: {  	[simem:s7], [sflag:s8] =	dma.local @!p0 [hbm:s6], $0xF7A  }
0x23: {  	s9 =	sor.u32 $0xD0000000, s2;
	s6 =	simm.s32 $0x108;
	_ =	swait.ge @!p0 [sflag:s8], $0x0  }
0x24: {  	s3 =	sadd.s32 $0x88, s3;
	s6 =	simm.s32 @!p1 $0x1082;
	[sflag:s4] =	ssyncset.s32 $0xFFFFF086  }
0x25: {  	[simem:s6], [sflag:s4] =	dma.local [hbm:s3], $0xF7A  }
0x26: {  	[smem:$0x3F9B] =	sst s1;
	(tag) =	ssettag s2;
	_ =	strace s9  }
0x27: {  	s1 =	sld [smem:$0x3FAB]  }
0x28: {  	s2 =	sld [smem:$0x3FAC]  }
0x29: {  	s4 =	sld [smem:$0x3FAE]  }
0x2a: {  	p0 =	seq.s32 s5, $0x0;
	s5 =	sld [smem:$0x3FAF]  }
0x2b: {  	s6 =	sld [smem:$0x3FB0]  }
0x2c: {  	s7 =	sld [smem:$0x3FB1]  }
0x2d: {  	s3 =	simm.s32 $0x108;
	s8 =	sld [smem:$0x3FB2]  }
0x2e: {  	s3 =	simm.s32 @!p0 $0x1082;
	s9 =	sld [smem:$0x3FB3]  }
0x2f: {  	lr =	sadd.s32 s0, s3;
	s0 =	sld [smem:$0x3FAA]  }
0x30: {  	s3 =	sld [smem:$0x3FAD]  }
0x31: {  	[smem:$0x3FB6] =	sst s10  }
0x32: {  	s10 =	sld [smem:$0x3FB4];
	_ =	sdelay $0x3  }
0x33: {  	p0 =	seq.s32 s10, $0x1;
	s10 =	sld [smem:$0x3FB6];
	_ =	sdelay $0x3  }
0x34: {  	[smem:$0x3FB6] =	sst s10  }
0x35: {  	s10 =	sld [smem:$0x3FB5];
	_ =	sdelay $0x3  }
0x36: {  	p1 =	seq.s32 s10, $0x1;
	s10 =	sld [smem:$0x3FB6];
	_ =	sdelay $0x3  }
0x37: {  	[smem:$0x3FB6] =	sst s10  }
0x38: {  	s10 =	sld [smem:$0x3FB7]  }
0x39: {  	_ = 	snop;
	(pc) =	sbr.ind lr, $3  }
0x3a: {  	_ = 	snop  }
0x3b: {  	_ = 	snop  }
0x3c: {  	p2 =	seq.s32 s10, $0x1;
	s10 =	sld [smem:$0x3FB6]  }
0x3d: {  	_ =	shalt  }
0x3e: {  	_ =	shalt  }
0x3f: {  	_ =	shalt  }
0x40: {  	_ =	shalt  }
0x41: {  	_ =	shalt  }
0x42: {  	_ =	shalt  }
0x43: {  	_ =	shalt  }
0x44: {  	_ =	shalt  }
0x45: {  	_ =	shalt  }
0x46: {  	_ =	shalt  }
0x47: {  	_ =	shalt  }
0x48: {  	_ =	shalt  }
0x49: {  	_ =	shalt  }
0x4a: {  	_ =	shalt  }
0x4b: {  	_ =	shalt  }
0x4c: {  	_ =	shalt  }
0x4d: {  	_ =	shalt  }
0x4e: {  	_ =	shalt  }
0x4f: {  	_ =	shalt  }
0x50: {  	_ =	shalt  }
0x51: {  	_ =	shalt  }
0x52: {  	_ =	shalt  }
0x53: {  	_ =	shalt  }
0x54: {  	_ =	shalt  }
0x55: {  	_ =	shalt  }
0x56: {  	_ =	shalt  }
0x57: {  	_ =	shalt  }
0x58: {  	_ =	shalt  }
0x59: {  	_ =	shalt  }
0x5a: {  	_ =	shalt  }
0x5b: {  	_ =	shalt  }
0x5c: {  	_ =	shalt  }
0x5d: {  	_ =	shalt  }
0x5e: {  	_ =	shalt  }
0x5f: {  	_ =	shalt  }
0x60: {  	_ =	shalt  }
0x61: {  	_ =	shalt  }
0x62: {  	_ =	shalt  }
0x63: {  	_ =	shalt  }
0x64: {  	_ =	shalt  }
0x65: {  	_ =	shalt  }
0x66: {  	_ =	shalt  }
0x67: {  	_ =	shalt  }
0x68: {  	_ =	shalt  }
0x69: {  	_ =	shalt  }
0x6a: {  	_ =	shalt  }
0x6b: {  	_ =	shalt  }
0x6c: {  	_ =	shalt  }
0x6d: {  	_ =	shalt  }
0x6e: {  	_ =	shalt  }
0x6f: {  	_ =	shalt  }
0x70: {  	_ =	shalt  }
0x71: {  	_ =	shalt  }
0x72: {  	_ =	shalt  }
0x73: {  	_ =	shalt  }
0x74: {  	_ =	shalt  }
0x75: {  	_ =	shalt  }
0x76: {  	_ =	shalt  }
0x77: {  	_ =	shalt  }
0x78: {  	_ =	shalt  }
0x79: {  	_ =	shalt  }
0x7a: {  	_ =	shalt  }
0x7b: {  	_ =	shalt  }
0x7c: {  	_ =	shalt  }
0x7d: {  	_ =	shalt  }
0x7e: {  	_ =	shalt  }
0x7f: {  	_ =	shalt  }
0x80: {  	_ =	shalt  }
0x81: {  	_ =	shalt  }
0x82: {  	_ =	shalt  }
0x83: {  	_ =	shalt  }
0x84: {  	_ =	shalt  }
0x85: {  	_ =	shalt  }
0x86: {  	_ =	shalt  }
0x87: {  	_ =	shalt  }
.Lfunc_end0:
.L_simem_size_0:
called_computation_lowered:
.L_overlay_start_0:
0x88: {  	s2 =	sld [smem:$0x3FD9]  }
0x89: {  	s3 =	sld [smem:$0x3FFE];
	_ =	sdelay $0x1  }
0x8a: {  	s1 =	srdreg.scid  }
0x8b: {  	s0 =	sand.u32 $0x1, s1  }
0x8c: {  	s18 =	sshll.u32 s0, $0xA;
	s2 =	sadd.s32 s3, s2  }
0x8d: {  	s2 =	sadd.s32 s2, s18  }
0x8e: {  	[smem:$0x3FC2] =	sst s2  }
0x8f: {  	_ = 	snop  }
0x90: {  	s2 =	sld [smem:$0x3FC9]  }
0x91: {  	s19 =	sld [smem:$0x3FC8]  }
0x92: {  	s4 =	sld [smem:$0x3FC7]  }
0x93: {  	s5 =	sld [smem:$0x3FC6]  }
0x94: {  	s6 =	sld [smem:$0x3FC5]  }
0x95: {  	s7 =	sld [smem:$0x3FC4]  }
0x96: {  	s8 =	sld [smem:$0x3FD0];
	(tm) =	ssettm $0x1  }
0x97: {  	s9 =	sld [smem:$0x3FFB];
	_ =	sdelay $0x3  }
0x98: {  	_ =	strace s9  }
0x99: {  	s9 =	sld [smem:$0x3FFC];
	_ =	sdelay $0x3  }
0x9a: {  	_ =	strace s9  }
0x9b: {  	s9 =	sld [smem:$0x3FFD];
	_ =	sdelay $0x3  }
0x9c: {  	_ =	strace s9  }
0x9d: {  	_ =	strace $0x8FFFFFFF  }
0x9e: {  	s20 =	sld [smem:$0x3FDB];
	_ =	sdelay $0x1  }
0x9f: {  	s10 =	simm.s32 $_scs_section_size  }
0xa0: {  	s11 =	simm.s32 $_size__tile_overlayer_lowered;
	s12 =	simm.s32 $_tile_overlayer_lowered  }
0xa1: {  	s23 =	simm.s32 $0x1BFF;
	s22 =	sshll.u32 s12, $0x1;
	s9 =	sadd.s32 s10, s20  }
0xa2: {  	s13 =	simm.s32 $0x0;
	s21 =	sshll.u32 s11, $0x1;
	s11 =	sadd.s32 s22, s9  }
0xa3: {  	[timem:s13], [sflag:s23] =	dma.local [hbm:s11], s21  }
0xa4: {  	_ =	swait.ge [sflag:s23], s21  }
0xa5: {  	s10 =	ssub.s32 $0x0, s21;
	[sflag:s23] =	ssyncset.done $0x0  }
0xa6: {  	[sflag:s23] =	ssyncadd.s32 s10;
	_ =	sdelay $0x1  }
0xa7: {  	s24 =	simm.s32 $0x1B8B  }
0xa8: {  	_ =	swait.ge [sflag:s24], $0x1  }
0xa9: {  	[sflag:s24] =	ssyncset.done $0x0  }
0xaa: {  	s25 =	simm.s32 $0x1B8E;
	[sflag:s24] =	ssyncadd.s32 $0xFFFFFFFF  }
0xab: {  	s26 =	simm.s32 $execute0_lowered;
	[smem:$0x3FD2] =	sst s25  }
0xac: {  	s10 =	sshll.u32 s26, $0x1;
	_ =	strace $0x80000046;
	[dreg:$0x1] =	wrdreg $0xFFFFFFFF  }
0xad: {  	s28 =	simm.s32 $_size_execute0_lowered;
	s9 =	sadd.s32 s9, s10;
	[dreg:$0x0] =	wrdreg $0x0  }
0xae: {  	s10 =	sshll.u32 s28, $0x1;
	[dreg:$0x2] =	wrdreg s9  }
0xaf: {  	[dreg:$0x3] =	wrdreg s10  }
0xb0: {  	[dreg:$0x4] =	wrdreg $0xC0  }
0xb1: {  	_ =	task [dreg:s13], $0x5FFFF  }
0xb2: {  	[dreg:$0x1] =	wrdreg $0xFFFFFFFF  }
0xb3: {  	[dreg:$0x0] =	wrdreg $0x60  }
0xb4: {  	[dreg:$0x2] =	wrdreg s2  }
0xb5: {  	[dreg:$0x3] =	wrdreg s19  }
0xb6: {  	[dreg:$0x4] =	wrdreg s4  }
0xb7: {  	[dreg:$0x5] =	wrdreg s5  }
0xb8: {  	[dreg:$0x6] =	wrdreg s6  }
0xb9: {  	[dreg:$0x7] =	wrdreg s7  }
0xba: {  	[dreg:$0x8] =	wrdreg s8  }
0xbb: {  	[dreg:$0x9] =	wrdreg $0x9  }
0xbc: {  	_ =	task.clear_ibuf [dreg:s13], $0xAFFFF;
	_ =	strace $0x90000046  }
0xbd: {  	s29 =	simm.s32 $0x9;
	_ =	strace $0x80000048  }
0xbe: {  	_ =	swait.ge [sflag:s29], $0x1  }
0xbf: {  	[sflag:s29] =	ssyncadd.s32 $0xFFFFFFFF  }
0xc0: {  	_ =	strace $0x90000048  }
0xc1: {  	_ =	sfence  }
0xc2: {  	s30 =	sld [smem:$0x0];
	_ =	sdelay $0x2  }
0xc3: {  	s31 =	sshll.u32 s1, $0xD;
	s1 =	sshrl.u32 s1, $0x2  }
0xc4: {  	s3 =	sand.u32 $0x4000, s31;
	s1 =	sadd.s32 s1, s30  }
0xc5: {  	s0 =	sor.u32 s3, s0;
	s1 =	sshll.u32 s1, $0x11  }
0xc6: {  	s0 =	sor.u32 s1, s0  }
0xc7: {  	s0 =	sadd.s32 $0x8F2B, s0  }
0xc8: {  	[sflag:s0] =	ssyncadd.remote.s32 $0x1  }
0xc9: {  	_ =	sfence.sel $0xFFFF  }
0xca: {  	[dreg:$0x0] =	wrdreg $0xFFFFFFFF;
	(pc) =	sbr.abs _section_cstart, $3  }
0xcb: {  	[dreg:$0x1] =	wrdreg $0xFFFFFFFF  }
0xcc: {  	_ =	task.clear_ibuf [dreg:s13], $0x2FFFF;
	_ =	strace $0x9FFFFFFF  }
0xcd: {  	(tm) =	ssettm $0x7FFFFFFF  }
tec
execute0_lowered:
.L_overlay_start_1:
0x0: {  	(tag) =	ssettag $0x1  }
0x1: {  	s0 =	rddreg [dreg:$0x0]  }
0x2: {  	s3 =	rddreg [dreg:$0x1]  }
0x3: {  	s1 =	rddreg [dreg:$0x2]  }
0x4: {  	s2 =	rddreg [dreg:$0x3]  }
0x5: {  	s4 =	rddreg [dreg:$0x6]  }
0x6: {  	s5 =	srdreg.scid;
	s6 =	simm.s32 $0x0;
	s8 =	stileid.u32  }
0x7: {  	s11 =	simm.s32 $0x5;
	s12 =	simm.s32 $0x200;
	s14 =	simm.s32 $0x10680  }
0x8: {  	s15 =	simm.s32 $0x80;
	s16 =	simm.s32 $0x400;
	s17 =	simm.s32 $0x8400  }
0x9: {  	s18 =	simm.s32 $0x4400;
	s19 =	simm.s32 $0x280;
	s20 =	simm.s32 $0xC400  }
0xa: {  	s21 =	simm.s32 $0x1;
	s22 =	simm.s32 $0x3;
	s23 =	simm.s32 $0x10700  }
0xb: {  	s24 =	simm.s32 $0x100;
	s25 =	simm.s32 $0x300;
	s26 =	simm.s32 $0x2  }
0xc: {  	s28 =	simm.s32 $0x4;
	s29 =	simm.s32 $0x180;
	s30 =	simm.s32 $0x380  }
0xd: {  	s31 =	simm.s32 $0x10400;
	s5 =	sand.u32 $0x1, s5;
	s8 =	sshll.u32 s8, $0x7  }
0xe: {  	[smem:$0x7FF] =	sst s6;
	s7 =	ssub.s32 $0x2, s5;
	s5 =	sshll.u32 s5, $0x6  }
0xf: {  	_ =	strace $0x80000047;
	s9 =	sshrl.u32 s7, $0x1;
	s5 =	sor.u32 s5, s8  }
0x10: {  	v0 =	vlaneseq.u32;
	s10 =	ssub.s32 s7, s9;
	s7 =	sadd.s32 s0, s5;
	s8 =	sadd.s32 s3, s5  }
0x11: {  	v0 =	vmul.u32 $0x80, v0;
	s9 =	sadd.s32 s4, s5;
	s0 =	simm.s32 $0x0;
	s10 =	smax.u32 s10, $0x1  }
.LBB2_1:
0x12: {  	[tilespmem:s6], [sflag:$0x5] =	stream.linear.gather [hbm4b:s7+s6], $0x200, $0x38;
	[tilespmem:$0x14700] =	vst v63  }
0x13: {  	_ =	swait.ge [sflag:s11], $0x200  }
0x14: {  	[sflag:s11] =	ssyncset.done $0x0  }
0x15: {  	[sflag:s11] =	ssyncadd.s32 $0xFFFFFE00  }
0x16: {  	[tilespmem:s12], [sflag:$0x5] =	stream.linear.gather [hbm4b:s8+s6], $0x200, $0x38;
	[tilespmem:$0x14700] =	vst v63  }
0x17: {  	_ =	swait.ge [sflag:s11], $0x200  }
0x18: {  	[sflag:s11] =	ssyncset.done $0x0  }
0x19: {  	[sflag:s11] =	ssyncadd.s32 $0xFFFFFE00  }
0x1a: {  	s4 =	simm.s32 $0x10600;
	s3 =	rddreg [dreg:$0x4]  }
0x1b: {  	[tilespmem:s4], [sflag:$0x5] =	stream.linear.gather [hbm4b:s3+s6], $0x80, $0x38;
	[tilespmem:$0x14700] =	vst v63  }
0x1c: {  	_ =	swait.ge [sflag:s11], $0x80  }
0x1d: {  	[sflag:s11] =	ssyncset.done $0x0  }
0x1e: {  	[sflag:s11] =	ssyncadd.s32 $0xFFFFFF80  }
0x1f: {  	s13 =	rddreg [dreg:$0x5]  }
0x20: {  	[tilespmem:s14], [sflag:$0x5] =	stream.linear.gather [hbm4b:s13+s6], $0x80, $0x38;
	[tilespmem:$0x14700] =	vst v63  }
0x21: {  	_ =	swait.ge [sflag:s11], $0x80  }
0x22: {  	[sflag:s11] =	ssyncset.done $0x0  }
0x23: {  	[sflag:s11] =	ssyncadd.s32 $0xFFFFFF80  }
0x24: {  	v1 =	vld [tilespmem:$0x10680]  }
0x25: {  	v8 =	vld [tilespmem:$0x10600]  }
0x26: {  	v9 =	vld [tilespmem:$0x10610]  }
0x27: {  	v7 =	vld [tilespmem:$0x10620]  }
0x28: {  	v6 =	vld [tilespmem:$0x10630]  }
0x29: {  	v5 =	vld [tilespmem:$0x10640]  }
0x2a: {  	v4 =	vld [tilespmem:$0x10650]  }
0x2b: {  	v3 =	vld [tilespmem:$0x10660]  }
0x2c: {  	v2 =	vld [tilespmem:$0x10670];
	[tilespmem:s16], [sflag:$0x1] =	stream.indirect.gather [hbm4b:s1+s15], $0x80, s6, s15, $0xb8  }
0x2d: {  	_ = 	snop  }
0x2e: {  	[tilespmem:s17], [sflag:$0x3] =	stream.indirect.gather [hbm4b:s2+s15], $0x80, s12, s15, $0xb8;
	[tilespmem:$0x14700] =	vst v63  }
0x2f: {  	_ = 	snop  }
0x30: {  	[tilespmem:s18], [sflag:$0x2] =	stream.indirect.gather [hbm4b:s1+s15], $0x80, s15, s15, $0xb8;
	[tilespmem:$0x14700] =	vst v63  }
0x31: {  	_ = 	snop  }
0x32: {  	[tilespmem:s20], [sflag:$0x4] =	stream.indirect.gather [hbm4b:s2+s15], $0x80, s19, s15, $0xb8;
	[tilespmem:$0x14700] =	vst v63  }
0x33: {  	_ =	swait.ge [sflag:s21], $0x4000  }
0x34: {  	[sflag:s21] =	ssyncset.done $0x0  }
0x35: {  	[sflag:s21] =	ssyncadd.s32 $0xFFFFC000  }
0x36: {  	_ =	swait.ge [sflag:s22], $0x4000  }
0x37: {  	[sflag:s22] =	ssyncset.done $0x0  }
0x38: {  	s5 =	simm.s32 $0x0;
	[sflag:s22] =	ssyncadd.s32 $0xFFFFC000  }
0x39: {  	v11 =	vld [tilespmem:s5+$0x420]  }
0x3a: {  	v12 =	vld [tilespmem:s5+$0x400]  }
0x3b: {  	v13 =	vld [tilespmem:s5+$0x8400]  }
0x3c: {  	v14 =	vld [tilespmem:s5+$0x410]  }
0x3d: {  	v15 =	vld [tilespmem:s5+$0x8410]  }
0x3e: {  	v16 =	vld [tilespmem:s5+$0x8420]  }
0x3f: {  	v10 =	vld [tilespmem:s5+$0x470]  }
0x40: {  	v17 =	vld [tilespmem:s5+$0x430]  }
0x41: {  	v18 =	vld [tilespmem:s5+$0x8430]  }
0x42: {  	v12 =	vmul.f32 v13, v12;
	v13 =	vmul.f32 v15, v14;
	v14 =	vld [tilespmem:s5+$0x440]  }
0x43: {  	v11 =	vmul.f32 v16, v11;
	v15 =	vld [tilespmem:s5+$0x8440]  }
0x44: {  	v19 =	vld [tilespmem:s5+$0x8450];
	v12 =	vmul.f32 v12, v8;
	v13 =	vmul.f32 v13, v9  }
0x45: {  	v16 =	vld [tilespmem:s5+$0x450]  }
0x46: {  	v20 =	vld [tilespmem:s5+$0x460];
	v11 =	vmul.f32 v11, v7;
	v12 =	vadd.f32 v13, v12;
	v13 =	vmul.f32 v18, v17  }
0x47: {  	v21 =	vld [tilespmem:s5+$0x8460]  }
0x48: {  	s3 =	simm.s32 $0x80;
	v14 =	vmul.f32 v15, v14;
	v17 =	vadd.f32 v11, v12;
	v18 =	vmul.f32 v13, v6;
	v11 =	vld [tilespmem:s5+$0x8470]  }
0x49: {  	v12 =	vld [tilespmem:s3+$0x420]  }
0x4a: {  	v16 =	vmul.f32 v19, v16;
	v13 =	vld [tilespmem:s3+$0x400];
	v14 =	vmul.f32 v14, v5;
	v15 =	vadd.f32 v18, v17  }
0x4b: {  	v17 =	vld [tilespmem:s3+$0x8400]  }
0x4c: {  	s4 =	simm.s32 $0x400;
	v18 =	vld [tilespmem:s3+$0x410];
	v14 =	vadd.f32 v14, v15;
	v15 =	vmul.f32 v16, v4;
	v16 =	vmul.f32 v21, v20  }
.LBB2_2:
0x4d: {  	p0 =	sne.s32 s4, $0xFE00;
	v19 =	vld [tilespmem:s3+$0x8410]  }
0x4e: {  	v11 =	vmul.f32 v11, v10;
	v20 =	vld [tilespmem:s3+$0x8420];
	v14 =	vadd.f32 v15, v14;
	v15 =	vmul.f32 v16, v3  }
0x4f: {  	v10 =	vld [tilespmem:s3+$0x470]  }
0x50: {  	v11 =	vmul.f32 v11, v2;
	v16 =	vld [tilespmem:s3+$0x430];
	v14 =	vadd.f32 v15, v14  }
0x51: {  	v15 =	vld [tilespmem:s3+$0x8430]  }
0x52: {  	v13 =	vmul.f32 v17, v13;
	v17 =	vmul.f32 v19, v18;
	v18 =	vld [tilespmem:s3+$0x440];
	v11 =	vadd.f32 v11, v14  }
0x53: {  	v12 =	vmul.f32 v20, v12;
	v14 =	vld [tilespmem:s3+$0x8440]  }
0x54: {  	v13 =	vmul.f32 v13, v8;
	v17 =	vmul.f32 v17, v9;
	v19 =	vld [tilespmem:s3+$0x450];
	[tilespmem:s5+$0x10700] =	vst v11;
	s5 =	smov.u32 s3  }
0x55: {  	v20 =	vld [tilespmem:s5+$0x8450]  }
0x56: {  	v12 =	vmul.f32 v12, v7;
	v11 =	vadd.f32 v17, v13;
	v13 =	vmul.f32 v15, v16;
	v16 =	vld [tilespmem:s5+$0x460]  }
0x57: {  	v21 =	vld [tilespmem:s5+$0x8460]  }
.Ltmp0:
0x58: {  	s3 =	sshra.s32 s4, $0x2;
	v15 =	vadd.f32 v12, v11;
	v17 =	vmul.f32 v13, v6;
	v14 =	vmul.f32 v14, v18;
	v11 =	vld [tilespmem:s5+$0x8470];
	(pc) =	sbr.rel @p0 .LBB2_2-.Ltmp0, $4  }
0x59: {  	v12 =	vld [tilespmem:s3+$0x420]  }
0x5a: {  	v13 =	vld [tilespmem:s3+$0x400];
	v15 =	vadd.f32 v17, v15;
	v14 =	vmul.f32 v14, v5;
	v19 =	vmul.f32 v20, v19  }
0x5b: {  	v17 =	vld [tilespmem:s3+$0x8400]  }
0x5c: {  	s4 =	sadd.s32 $0x200, s4;
	v18 =	vld [tilespmem:s3+$0x410];
	v14 =	vadd.f32 v14, v15;
	v15 =	vmul.f32 v19, v4;
	v16 =	vmul.f32 v21, v16  }
0x5d: {  	v19 =	vld [tilespmem:s3+$0x8410]  }
0x5e: {  	v20 =	vld [tilespmem:s3+$0x8420];
	_ =	sdelay $0x1  }
0x5f: {  	v21 =	vld [tilespmem:s3+$0x430]  }
0x60: {  	v22 =	vld [tilespmem:s3+$0x8430]  }
0x61: {  	v13 =	vmul.f32 v17, v13;
	v17 =	vmul.f32 v19, v18;
	v18 =	vld [tilespmem:s3+$0x440]  }
0x62: {  	v12 =	vmul.f32 v20, v12;
	v19 =	vld [tilespmem:s3+$0x8440]  }
0x63: {  	v23 =	vld [tilespmem:s3+$0x8450];
	v13 =	vmul.f32 v13, v8;
	v17 =	vmul.f32 v17, v9  }
0x64: {  	v10 =	vmul.f32 v11, v10;
	v14 =	vadd.f32 v15, v14;
	v15 =	vmul.f32 v16, v3;
	v20 =	vld [tilespmem:s3+$0x450]  }
0x65: {  	v12 =	vmul.f32 v12, v7;
	v13 =	vadd.f32 v17, v13;
	v17 =	vmul.f32 v22, v21;
	v21 =	vld [tilespmem:s3+$0x460]  }
0x66: {  	v10 =	vmul.f32 v10, v2;
	v14 =	vadd.f32 v15, v14;
	v22 =	vld [tilespmem:s3+$0x8460]  }
0x67: {  	v24 =	vld [tilespmem:s3+$0x470];
	v12 =	vadd.f32 v12, v13;
	v13 =	vmul.f32 v17, v6;
	v17 =	vmul.f32 v19, v18  }
0x68: {  	v10 =	vadd.f32 v10, v14;
	v18 =	vld [tilespmem:s3+$0x8470]  }
0x69: {  	v12 =	vadd.f32 v13, v12;
	v13 =	vmul.f32 v17, v5;
	v17 =	vmul.f32 v23, v20;
	_ =	sdelay $0x1  }
0x6a: {  	s4 =	simm.s32 $0x0;
	[tilespmem:s5+$0x10700] =	vst v10;
	s5 =	simm.s32 $0x10;
	v12 =	vadd.f32 v13, v12;
	v13 =	vmul.f32 v17, v4;
	v17 =	vmul.f32 v22, v21  }
0x6b: {  	v25 =	vmov s5;
	v19 =	vmov s4  }
0x6c: {  	v11 =	vadd.f32 v13, v12;
	v12 =	vmul.f32 v17, v3;
	v13 =	vmul.f32 v18, v24  }
0x6d: {  	v25 =	vshll.u32 v25, $0x7;
	v15 =	vshll.u32 v19, $0x7  }
0x6e: {  	v11 =	vadd.f32 v12, v11;
	v12 =	vmul.f32 v13, v2;
	v13 =	vor.u32 v0, v15  }
0x6f: {  	v25 =	vor.u32 v0, v25  }
0x70: {  	v27 =	vor.u32 $0x1, v25;
	v11 =	vadd.f32 v12, v11  }
0x71: {  	v28 =	vor.u32 $0x2, v25  }
0x72: {  	v29 =	vor.u32 $0x3, v25;
	[tilespmem:s3+$0x10700] =	vst v11  }
0x73: {  	v14 =	vor.u32 $0x1, v13;
	v15 =	vld.idx.msk [tilespmem:v13+s23+$0x0], $0xffff  }
0x74: {  	v10 =	vor.u32 $0x3, v13;
	v31 =	vld.idx.msk [tilespmem:v25+s23+$0x0], $0xffff  }
0x75: {  	v16 =	vor.u32 $0x5, v13;
	v27 =	vld.idx.msk [tilespmem:v27+s23+$0x0], $0xffff  }
0x76: {  	v17 =	vor.u32 $0x6, v13;
	v28 =	vld.idx.msk [tilespmem:v28+s23+$0x0], $0xffff  }
0x77: {  	v18 =	vor.u32 $0x7, v13;
	v29 =	vld.idx.msk [tilespmem:v29+s23+$0x0], $0xffff  }
0x78: {  	v19 =	vor.u32 $0x8, v13;
	v14 =	vld.idx.msk [tilespmem:v14+s23+$0x0], $0xffff  }
0x79: {  	v20 =	vor.u32 $0x9, v13;
	v10 =	vld.idx.msk [tilespmem:v10+s23+$0x0], $0xffff  }
0x7a: {  	v21 =	vor.u32 $0xA, v13;
	v16 =	vld.idx.msk [tilespmem:v16+s23+$0x0], $0xffff  }
0x7b: {  	v22 =	vor.u32 $0xB, v13;
	v17 =	vld.idx.msk [tilespmem:v17+s23+$0x0], $0xffff  }
0x7c: {  	v23 =	vor.u32 $0xC, v13;
	v18 =	vld.idx.msk [tilespmem:v18+s23+$0x0], $0xffff  }
0x7d: {  	v24 =	vor.u32 $0xD, v13;
	v19 =	vld.idx.msk [tilespmem:v19+s23+$0x0], $0xffff  }
0x7e: {  	v12 =	vor.u32 $0x2, v13;
	v20 =	vld.idx.msk [tilespmem:v20+s23+$0x0], $0xffff  }
0x7f: {  	v11 =	vor.u32 $0x4, v13;
	v21 =	vld.idx.msk [tilespmem:v21+s23+$0x0], $0xffff  }
0x80: {  	v26 =	vor.u32 $0xE, v13;
	v22 =	vld.idx.msk [tilespmem:v22+s23+$0x0], $0xffff  }
0x81: {  	v13 =	vor.u32 $0xF, v13;
	v23 =	vld.idx.msk [tilespmem:v23+s23+$0x0], $0xffff  }
0x82: {  	v30 =	vor.u32 $0x4, v25;
	v24 =	vld.idx.msk [tilespmem:v24+s23+$0x0], $0xffff  }
0x83: {  	v36 =	vor.u32 $0x9, v25;
	v12 =	vld.idx.msk [tilespmem:v12+s23+$0x0], $0xffff  }
0x84: {  	v32 =	vor.u32 $0x5, v25;
	v11 =	vld.idx.msk [tilespmem:v11+s23+$0x0], $0xffff  }
0x85: {  	v34 =	vor.u32 $0x7, v25;
	v26 =	vld.idx.msk [tilespmem:v26+s23+$0x0], $0xffff  }
0x86: {  	v35 =	vor.u32 $0x8, v25;
	v13 =	vld.idx.msk [tilespmem:v13+s23+$0x0], $0xffff  }
0x87: {  	v33 =	vor.u32 $0x6, v25;
	v30 =	vld.idx.msk [tilespmem:v30+s23+$0x0], $0xffff;
	v14 =	vadd.f32 v14, v15;
	v19 =	vadd.f32 v20, v19  }
0x88: {  	v54 =	vld.idx.msk [tilespmem:v36+s23+$0x0], $0xffff;
	v20 =	vadd.f32 v22, v21;
	v22 =	vor.u32 $0xC, v25;
	v10 =	vadd.f32 v10, v12  }
0x89: {  	v15 =	vld.idx.msk [tilespmem:v32+s23+$0x0], $0xffff;
	v23 =	vadd.f32 v24, v23;
	v12 =	vor.u32 $0xA, v25;
	v11 =	vadd.f32 v16, v11  }
0x8a: {  	s13 =	simm.s32 $0x20;
	v21 =	vld.idx.msk [tilespmem:v34+s23+$0x0], $0xffff;
	v16 =	vadd.f32 v18, v17;
	v17 =	vor.u32 $0xB, v25;
	v14 =	vadd.f32 v10, v14  }
0x8b: {  	v24 =	vld.idx.msk [tilespmem:v35+s23+$0x0], $0xffff;
	v10 =	vmov s13;
	v13 =	vadd.f32 v13, v26;
	v26 =	vor.u32 $0xD, v25  }
0x8c: {  	v55 =	vor.u32 $0xE, v25;
	v18 =	vld.idx.msk [tilespmem:v33+s23+$0x0], $0xffff;
	v10 =	vshll.u32 v10, $0x7  }
0x8d: {  	v10 =	vor.u32 v0, v10;
	v22 =	vld.idx.msk [tilespmem:v22+s23+$0x0], $0xffff  }
0x8e: {  	v11 =	vadd.f32 v16, v11;
	v16 =	vld.idx.msk [tilespmem:v12+s23+$0x0], $0xffff;
	v12 =	vor.u32 $0xF, v25  }
0x8f: {  	v19 =	vadd.f32 v20, v19;
	v13 =	vadd.f32 v13, v23;
	v23 =	vor.u32 $0x3, v10;
	v20 =	vld.idx.msk [tilespmem:v17+s23+$0x0], $0xffff  }
0x90: {  	v57 =	vor.u32 $0x5, v10;
	v25 =	vld.idx.msk [tilespmem:v26+s23+$0x0], $0xffff  }
0x91: {  	v13 =	vadd.f32 v13, v19;
	v19 =	vor.u32 $0x2, v10;
	v26 =	vld.idx.msk [tilespmem:v55+s23+$0x0], $0xffff  }
0x92: {  	v11 =	vadd.f32 v11, v14;
	v17 =	vor.u32 $0x1, v10;
	v14 =	vld.idx.msk [tilespmem:v10+s23+$0x0], $0xffff  }
0x93: {  	v59 =	vor.u32 $0x6, v10;
	v56 =	vld.idx.msk [tilespmem:v12+s23+$0x0], $0xffff  }
0x94: {  	v27 =	vadd.f32 v27, v31;
	v60 =	vor.u32 $0x7, v10;
	v11 =	vadd.f32 v13, v11;
	v12 =	vld.idx.msk [tilespmem:v23+s23+$0x0], $0xffff  }
0x95: {  	v28 =	vadd.f32 v29, v28;
	v29 =	vadd.f32 v15, v30;
	v13 =	vor.u32 $0x4, v10;
	v15 =	vld.idx.msk [tilespmem:v57+s23+$0x0], $0xffff  }
0x96: {  	v61 =	vadd.f32 v54, v24;
	v58 =	vadd.f32 v11, v1;
	v11 =	vld.idx.msk [tilespmem:v19+s23+$0x0], $0xffff;
	v19 =	vor.u32 $0x8, v10  }
0x97: {  	v18 =	vadd.f32 v21, v18;
	v21 =	vor.u32 $0x9, v10;
	v17 =	vld.idx.msk [tilespmem:v17+s23+$0x0], $0xffff;
	v62 =	vadd.f32 v20, v16  }
0x98: {  	v23 =	vor.u32 $0xA, v10;
	v16 =	vld.idx.msk [tilespmem:v59+s23+$0x0], $0xffff;
	v63 =	vadd.f32 v25, v22;
	v26 =	vadd.f32 v56, v26  }
0x99: {  	s3 =	simm.s32 $0x10400;
	v24 =	vor.u32 $0xB, v10;
	v20 =	vadd.f32 v28, v27;
	v22 =	vadd.f32 v18, v29;
	v18 =	vld.idx.msk [tilespmem:v60+s23+$0x0], $0xffff  }
0x9a: {  	s4 =	simm.s32 $0x30;
	v27 =	vor.u32 $0xC, v10;
	[tilespmem:s3+$0x0] =	vst v58;
	v13 =	vld.idx.msk [tilespmem:v13+s23+$0x0], $0xffff;
	v25 =	vadd.f32 v62, v61;
	v26 =	vadd.f32 v26, v63  }
.LBB2_4:
0x9b: {  	v28 =	vmov s4;
	p0 =	sne.s32 s4, $0x70;
	v29 =	vld.idx.msk [tilespmem:v19+s23+$0x0], $0xffff;
	v19 =	vor.u32 $0xD, v10  }
0x9c: {  	v20 =	vadd.f32 v22, v20;
	v30 =	vld.idx.msk [tilespmem:v21+s23+$0x0], $0xffff;
	v21 =	vor.u32 $0xE, v10;
	v22 =	vadd.f32 v26, v25  }
0x9d: {  	v25 =	vshll.u32 v28, $0x7;
	v26 =	vor.u32 $0xF, v10;
	v23 =	vld.idx.msk [tilespmem:v23+s23+$0x0], $0xffff  }
0x9e: {  	v10 =	vor.u32 v0, v25;
	v24 =	vld.idx.msk [tilespmem:v24+s23+$0x0], $0xffff;
	v20 =	vadd.f32 v22, v20  }
0x9f: {  	v22 =	vor.u32 $0x1, v10;
	v25 =	vld.idx.msk [tilespmem:v27+s23+$0x0], $0xffff  }
0xa0: {  	v27 =	vor.u32 $0x2, v10;
	v28 =	vld.idx.msk [tilespmem:v19+s23+$0x0], $0xffff;
	v19 =	vadd.f32 v20, v1  }
0xa1: {  	s3 =	sadd.s32 $0x10, s3;
	v20 =	vor.u32 $0x3, v10;
	v31 =	vld.idx.msk [tilespmem:v21+s23+$0x0], $0xffff  }
0xa2: {  	v21 =	vor.u32 $0x4, v10;
	v26 =	vld.idx.msk [tilespmem:v26+s23+$0x0], $0xffff;
	[tilespmem:s3+$0x0] =	vst v19  }
0xa3: {  	v33 =	vor.u32 $0x5, v10;
	v32 =	vld.idx.msk [tilespmem:v10+s23+$0x0], $0xffff  }
0xa4: {  	v34 =	vld.idx.msk [tilespmem:v22+s23+$0x0], $0xffff;
	v22 =	vor.u32 $0x6, v10  }
0xa5: {  	v14 =	vadd.f32 v17, v14;
	v17 =	vadd.f32 v12, v11;
	v35 =	vor.u32 $0x7, v10;
	v11 =	vld.idx.msk [tilespmem:v27+s23+$0x0], $0xffff  }
.Ltmp1:
0xa6: {  	v18 =	vadd.f32 v18, v16;
	v19 =	vor.u32 $0x8, v10;
	v27 =	vadd.f32 v15, v13;
	v12 =	vld.idx.msk [tilespmem:v20+s23+$0x0], $0xffff;
	(pc) =	sbr.rel @p0 .LBB2_4-.Ltmp1, $4  }
0xa7: {  	v29 =	vadd.f32 v30, v29;
	v30 =	vadd.f32 v24, v23;
	v13 =	vld.idx.msk [tilespmem:v21+s23+$0x0], $0xffff;
	v21 =	vor.u32 $0x9, v10  }
0xa8: {  	v23 =	vor.u32 $0xA, v10;
	v28 =	vadd.f32 v28, v25;
	v26 =	vadd.f32 v26, v31;
	v15 =	vld.idx.msk [tilespmem:v33+s23+$0x0], $0xffff  }
0xa9: {  	v24 =	vor.u32 $0xB, v10;
	v20 =	vadd.f32 v17, v14;
	v14 =	vmovc v32;
	v16 =	vld.idx.msk [tilespmem:v22+s23+$0x0], $0xffff;
	v22 =	vadd.f32 v18, v27  }
0xaa: {  	s4 =	sadd.s32 $0x10, s4;
	v25 =	vadd.f32 v30, v29;
	v27 =	vor.u32 $0xC, v10;
	v26 =	vadd.f32 v26, v28;
	v17 =	vmovc v34;
	v18 =	vld.idx.msk [tilespmem:v35+s23+$0x0], $0xffff  }
0xab: {  	_ =	sdelay $0x3  }
0xac: {  	v19 =	vld.idx.msk [tilespmem:v19+s23+$0x0], $0xffff;
	v28 =	vor.u32 $0xD, v10  }
0xad: {  	v21 =	vld.idx.msk [tilespmem:v21+s23+$0x0], $0xffff;
	v29 =	vor.u32 $0xE, v10  }
0xae: {  	v23 =	vld.idx.msk [tilespmem:v23+s23+$0x0], $0xffff;
	v10 =	vor.u32 $0xF, v10  }
0xaf: {  	v24 =	vld.idx.msk [tilespmem:v24+s23+$0x0], $0xffff  }
0xb0: {  	v27 =	vld.idx.msk [tilespmem:v27+s23+$0x0], $0xffff  }
0xb1: {  	v28 =	vld.idx.msk [tilespmem:v28+s23+$0x0], $0xffff  }
0xb2: {  	v29 =	vld.idx.msk [tilespmem:v29+s23+$0x0], $0xffff  }
0xb3: {  	v10 =	vld.idx.msk [tilespmem:v10+s23+$0x0], $0xffff;
	_ =	sdelay $0x1  }
0xb4: {  	v14 =	vadd.f32 v17, v14;
	v11 =	vadd.f32 v12, v11  }
0xb5: {  	v12 =	vadd.f32 v15, v13;
	v13 =	vadd.f32 v18, v16  }
0xb6: {  	v15 =	vadd.f32 v21, v19;
	v16 =	vadd.f32 v24, v23  }
0xb7: {  	v17 =	vadd.f32 v28, v27;
	v10 =	vadd.f32 v10, v29  }
0xb8: {  	v11 =	vadd.f32 v11, v14;
	v12 =	vadd.f32 v13, v12  }
0xb9: {  	v13 =	vadd.f32 v16, v15;
	v10 =	vadd.f32 v10, v17  }
0xba: {  	v14 =	vadd.f32 v22, v20;
	v15 =	vadd.f32 v26, v25  }
0xbb: {  	v11 =	vadd.f32 v12, v11;
	v10 =	vadd.f32 v10, v13  }
0xbc: {  	v12 =	vadd.f32 v15, v14  }
0xbd: {  	v10 =	vadd.f32 v10, v11  }
0xbe: {  	v11 =	vadd.f32 v12, v1  }
0xbf: {  	s3 =	sadd.s32 $0x10, s3;
	v10 =	vadd.f32 v10, v1  }
0xc0: {  	[tilespmem:s3+$0x0] =	vst v11;
	s3 =	sadd.s32 $0x10, s3  }
0xc1: {  	[tilespmem:s3+$0x0] =	vst v10  }
0xc2: {  	[tilespmem:s16], [sflag:$0x1] =	stream.indirect.gather [hbm4b:s1+s15], $0x80, s24, s15, $0xb8;
	[tilespmem:$0x14700] =	vst v63  }
0xc3: {  	_ = 	snop  }
0xc4: {  	[tilespmem:s17], [sflag:$0x3] =	stream.indirect.gather [hbm4b:s2+s15], $0x80, s25, s15, $0xb8;
	[tilespmem:$0x14700] =	vst v63  }
0xc5: {  	_ =	swait.ge [sflag:s26], $0x4000  }
0xc6: {  	[sflag:s26] =	ssyncset.done $0x0  }
0xc7: {  	[sflag:s26] =	ssyncadd.s32 $0xFFFFC000  }
0xc8: {  	_ =	swait.ge [sflag:s28], $0x4000  }
0xc9: {  	[sflag:s28] =	ssyncset.done $0x0  }
0xca: {  	s5 =	simm.s32 $0x0;
	[sflag:s28] =	ssyncadd.s32 $0xFFFFC000  }
0xcb: {  	v11 =	vld [tilespmem:s5+$0x4420]  }
0xcc: {  	v12 =	vld [tilespmem:s5+$0x4400]  }
0xcd: {  	v13 =	vld [tilespmem:s5+$0xC400]  }
0xce: {  	v14 =	vld [tilespmem:s5+$0x4410]  }
0xcf: {  	v15 =	vld [tilespmem:s5+$0xC410]  }
0xd0: {  	v16 =	vld [tilespmem:s5+$0xC420]  }
0xd1: {  	v10 =	vld [tilespmem:s5+$0x4470]  }
0xd2: {  	v17 =	vld [tilespmem:s5+$0x4430]  }
0xd3: {  	v18 =	vld [tilespmem:s5+$0xC430]  }
0xd4: {  	v12 =	vmul.f32 v13, v12;
	v13 =	vmul.f32 v15, v14;
	v14 =	vld [tilespmem:s5+$0x4440]  }
0xd5: {  	v11 =	vmul.f32 v16, v11;
	v15 =	vld [tilespmem:s5+$0xC440]  }
0xd6: {  	v19 =	vld [tilespmem:s5+$0xC450];
	v12 =	vmul.f32 v12, v8;
	v13 =	vmul.f32 v13, v9  }
0xd7: {  	v16 =	vld [tilespmem:s5+$0x4450]  }
0xd8: {  	v20 =	vld [tilespmem:s5+$0x4460];
	v11 =	vmul.f32 v11, v7;
	v12 =	vadd.f32 v13, v12;
	v13 =	vmul.f32 v18, v17  }
0xd9: {  	v63 =	vld [tilespmem:s5+$0xC460]  }
0xda: {  	s3 =	simm.s32 $0x80;
	v14 =	vmul.f32 v15, v14;
	v17 =	vadd.f32 v11, v12;
	v18 =	vmul.f32 v13, v6;
	v11 =	vld [tilespmem:s5+$0xC470]  }
0xdb: {  	v12 =	vld [tilespmem:s3+$0x4420]  }
0xdc: {  	v16 =	vmul.f32 v19, v16;
	v13 =	vld [tilespmem:s3+$0x4400];
	v14 =	vmul.f32 v14, v5;
	v15 =	vadd.f32 v18, v17  }
0xdd: {  	v17 =	vld [tilespmem:s3+$0xC400]  }
0xde: {  	s4 =	simm.s32 $0x0;
	s13 =	simm.s32 $0x400;
	v16 =	vmul.f32 v16, v4;
	v18 =	vld [tilespmem:s3+$0x4410];
	v14 =	vadd.f32 v14, v15;
	v15 =	vmul.f32 v63, v20  }
.LBB2_6:
0xdf: {  	p0 =	sne.s32 s13, $0xFE00;
	v19 =	vld [tilespmem:s3+$0xC410]  }
0xe0: {  	v11 =	vmul.f32 v11, v10;
	v20 =	vld [tilespmem:s3+$0xC420];
	v14 =	vadd.f32 v16, v14;
	v15 =	vmul.f32 v15, v3  }
0xe1: {  	v10 =	vld [tilespmem:s3+$0x4470]  }
0xe2: {  	v11 =	vmul.f32 v11, v2;
	v16 =	vld [tilespmem:s3+$0x4430];
	v14 =	vadd.f32 v15, v14  }
0xe3: {  	v15 =	vld [tilespmem:s3+$0xC430]  }
0xe4: {  	v13 =	vmul.f32 v17, v13;
	v17 =	vmul.f32 v19, v18;
	v18 =	vld [tilespmem:s3+$0x4440];
	v11 =	vadd.f32 v11, v14  }
0xe5: {  	v12 =	vmul.f32 v20, v12;
	v14 =	vld [tilespmem:s3+$0xC440]  }
0xe6: {  	v13 =	vmul.f32 v13, v8;
	v17 =	vmul.f32 v17, v9;
	v19 =	vld [tilespmem:s3+$0x4450];
	[tilespmem:s5+$0x10700] =	vst v11;
	s5 =	smov.u32 s3  }
0xe7: {  	v20 =	vld [tilespmem:s5+$0xC450]  }
0xe8: {  	v12 =	vmul.f32 v12, v7;
	v11 =	vadd.f32 v17, v13;
	v13 =	vmul.f32 v15, v16;
	v15 =	vld [tilespmem:s5+$0x4460]  }
0xe9: {  	v21 =	vld [tilespmem:s5+$0xC460]  }
.Ltmp2:
0xea: {  	s3 =	sshra.s32 s13, $0x2;
	v16 =	vadd.f32 v12, v11;
	v17 =	vmul.f32 v13, v6;
	v14 =	vmul.f32 v14, v18;
	v11 =	vld [tilespmem:s5+$0xC470];
	(pc) =	sbr.rel @p0 .LBB2_6-.Ltmp2, $4  }
0xeb: {  	v12 =	vld [tilespmem:s3+$0x4420]  }
0xec: {  	v13 =	vld [tilespmem:s3+$0x4400];
	v16 =	vadd.f32 v17, v16;
	v14 =	vmul.f32 v14, v5;
	v19 =	vmul.f32 v20, v19  }
0xed: {  	v17 =	vld [tilespmem:s3+$0xC400]  }
0xee: {  	s13 =	sadd.s32 $0x200, s13;
	v18 =	vld [tilespmem:s3+$0x4410];
	v14 =	vadd.f32 v14, v16;
	v16 =	vmul.f32 v19, v4;
	v15 =	vmul.f32 v21, v15  }
0xef: {  	v19 =	vld [tilespmem:s3+$0xC410]  }
0xf0: {  	v20 =	vld [tilespmem:s3+$0xC420];
	_ =	sdelay $0x1  }
0xf1: {  	v21 =	vld [tilespmem:s3+$0x4430]  }
0xf2: {  	v22 =	vld [tilespmem:s3+$0xC430]  }
0xf3: {  	v13 =	vmul.f32 v17, v13;
	v17 =	vmul.f32 v19, v18;
	v18 =	vld [tilespmem:s3+$0x4440]  }
0xf4: {  	v12 =	vmul.f32 v20, v12;
	v19 =	vld [tilespmem:s3+$0xC440]  }
0xf5: {  	v23 =	vld [tilespmem:s3+$0xC450];
	v13 =	vmul.f32 v13, v8;
	v17 =	vmul.f32 v17, v9  }
0xf6: {  	v20 =	vld [tilespmem:s3+$0x4450]  }
0xf7: {  	v12 =	vmul.f32 v12, v7;
	v13 =	vadd.f32 v17, v13;
	v17 =	vmul.f32 v22, v21  }
0xf8: {  	v10 =	vmul.f32 v11, v10;
	v14 =	vadd.f32 v16, v14;
	v15 =	vmul.f32 v15, v3;
	v21 =	vld [tilespmem:s3+$0x4460]  }
0xf9: {  	v22 =	vld [tilespmem:s3+$0xC460];
	v12 =	vadd.f32 v12, v13;
	v13 =	vmul.f32 v17, v6;
	v17 =	vmul.f32 v19, v18  }
0xfa: {  	v10 =	vmul.f32 v10, v2;
	v14 =	vadd.f32 v15, v14;
	v18 =	vld [tilespmem:s3+$0x4470]  }
0xfb: {  	v19 =	vld [tilespmem:s3+$0xC470];
	v12 =	vadd.f32 v13, v12;
	v13 =	vmul.f32 v17, v5;
	v17 =	vmul.f32 v23, v20  }
0xfc: {  	v10 =	vadd.f32 v10, v14  }
0xfd: {  	v12 =	vadd.f32 v13, v12;
	v13 =	vmul.f32 v17, v4  }
0xfe: {  	[tilespmem:s5+$0x10700] =	vst v10;
	s5 =	simm.s32 $0x10;
	v16 =	vmul.f32 v22, v21  }
0xff: {  	v25 =	vmov s5;
	v11 =	vadd.f32 v13, v12  }
0x100: {  	v12 =	vmul.f32 v16, v3;
	v13 =	vmul.f32 v19, v18;
	v16 =	vmov s4  }
0x101: {  	v25 =	vshll.u32 v25, $0x7;
	v15 =	vshll.u32 v16, $0x7  }
0x102: {  	v11 =	vadd.f32 v12, v11;
	v12 =	vmul.f32 v13, v2;
	v13 =	vor.u32 v0, v15  }
0x103: {  	v25 =	vor.u32 v0, v25  }
0x104: {  	v27 =	vor.u32 $0x1, v25;
	v11 =	vadd.f32 v12, v11  }
0x105: {  	v28 =	vor.u32 $0x2, v25  }
0x106: {  	v29 =	vor.u32 $0x3, v25;
	[tilespmem:s3+$0x10700] =	vst v11  }
0x107: {  	v14 =	vor.u32 $0x1, v13;
	v15 =	vld.idx.msk [tilespmem:v13+s23+$0x0], $0xffff  }
0x108: {  	v10 =	vor.u32 $0x3, v13;
	v31 =	vld.idx.msk [tilespmem:v25+s23+$0x0], $0xffff  }
0x109: {  	v16 =	vor.u32 $0x5, v13;
	v27 =	vld.idx.msk [tilespmem:v27+s23+$0x0], $0xffff  }
0x10a: {  	v17 =	vor.u32 $0x6, v13;
	v28 =	vld.idx.msk [tilespmem:v28+s23+$0x0], $0xffff  }
0x10b: {  	v18 =	vor.u32 $0x7, v13;
	v29 =	vld.idx.msk [tilespmem:v29+s23+$0x0], $0xffff  }
0x10c: {  	v19 =	vor.u32 $0x8, v13;
	v14 =	vld.idx.msk [tilespmem:v14+s23+$0x0], $0xffff  }
0x10d: {  	v20 =	vor.u32 $0x9, v13;
	v10 =	vld.idx.msk [tilespmem:v10+s23+$0x0], $0xffff  }
0x10e: {  	v21 =	vor.u32 $0xA, v13;
	v16 =	vld.idx.msk [tilespmem:v16+s23+$0x0], $0xffff  }
0x10f: {  	v22 =	vor.u32 $0xB, v13;
	v17 =	vld.idx.msk [tilespmem:v17+s23+$0x0], $0xffff  }
0x110: {  	v23 =	vor.u32 $0xC, v13;
	v18 =	vld.idx.msk [tilespmem:v18+s23+$0x0], $0xffff  }
0x111: {  	v24 =	vor.u32 $0xD, v13;
	v19 =	vld.idx.msk [tilespmem:v19+s23+$0x0], $0xffff  }
0x112: {  	v12 =	vor.u32 $0x2, v13;
	v20 =	vld.idx.msk [tilespmem:v20+s23+$0x0], $0xffff  }
0x113: {  	v11 =	vor.u32 $0x4, v13;
	v21 =	vld.idx.msk [tilespmem:v21+s23+$0x0], $0xffff  }
0x114: {  	v26 =	vor.u32 $0xE, v13;
	v22 =	vld.idx.msk [tilespmem:v22+s23+$0x0], $0xffff  }
0x115: {  	v13 =	vor.u32 $0xF, v13;
	v23 =	vld.idx.msk [tilespmem:v23+s23+$0x0], $0xffff  }
0x116: {  	v30 =	vor.u32 $0x4, v25;
	v24 =	vld.idx.msk [tilespmem:v24+s23+$0x0], $0xffff  }
0x117: {  	v36 =	vor.u32 $0x9, v25;
	v12 =	vld.idx.msk [tilespmem:v12+s23+$0x0], $0xffff  }
0x118: {  	v32 =	vor.u32 $0x5, v25;
	v11 =	vld.idx.msk [tilespmem:v11+s23+$0x0], $0xffff  }
0x119: {  	v34 =	vor.u32 $0x7, v25;
	v26 =	vld.idx.msk [tilespmem:v26+s23+$0x0], $0xffff  }
0x11a: {  	v35 =	vor.u32 $0x8, v25;
	v13 =	vld.idx.msk [tilespmem:v13+s23+$0x0], $0xffff  }
0x11b: {  	v33 =	vor.u32 $0x6, v25;
	v30 =	vld.idx.msk [tilespmem:v30+s23+$0x0], $0xffff;
	v14 =	vadd.f32 v14, v15;
	v19 =	vadd.f32 v20, v19  }
0x11c: {  	v54 =	vld.idx.msk [tilespmem:v36+s23+$0x0], $0xffff;
	v20 =	vadd.f32 v22, v21;
	v22 =	vor.u32 $0xC, v25;
	v10 =	vadd.f32 v10, v12  }
0x11d: {  	v15 =	vld.idx.msk [tilespmem:v32+s23+$0x0], $0xffff;
	v23 =	vadd.f32 v24, v23;
	v12 =	vor.u32 $0xA, v25;
	v11 =	vadd.f32 v16, v11  }
0x11e: {  	s13 =	simm.s32 $0x20;
	v21 =	vld.idx.msk [tilespmem:v34+s23+$0x0], $0xffff;
	v16 =	vadd.f32 v18, v17;
	v17 =	vor.u32 $0xB, v25;
	v14 =	vadd.f32 v10, v14  }
0x11f: {  	v24 =	vld.idx.msk [tilespmem:v35+s23+$0x0], $0xffff;
	v10 =	vmov s13;
	v13 =	vadd.f32 v13, v26;
	v26 =	vor.u32 $0xD, v25  }
0x120: {  	v55 =	vor.u32 $0xE, v25;
	v18 =	vld.idx.msk [tilespmem:v33+s23+$0x0], $0xffff;
	v10 =	vshll.u32 v10, $0x7  }
0x121: {  	v10 =	vor.u32 v0, v10;
	v22 =	vld.idx.msk [tilespmem:v22+s23+$0x0], $0xffff  }
0x122: {  	v11 =	vadd.f32 v16, v11;
	v16 =	vld.idx.msk [tilespmem:v12+s23+$0x0], $0xffff;
	v12 =	vor.u32 $0xF, v25  }
0x123: {  	v19 =	vadd.f32 v20, v19;
	v13 =	vadd.f32 v13, v23;
	v23 =	vor.u32 $0x3, v10;
	v20 =	vld.idx.msk [tilespmem:v17+s23+$0x0], $0xffff  }
0x124: {  	v57 =	vor.u32 $0x5, v10;
	v25 =	vld.idx.msk [tilespmem:v26+s23+$0x0], $0xffff  }
0x125: {  	v13 =	vadd.f32 v13, v19;
	v19 =	vor.u32 $0x2, v10;
	v26 =	vld.idx.msk [tilespmem:v55+s23+$0x0], $0xffff  }
0x126: {  	v11 =	vadd.f32 v11, v14;
	v17 =	vor.u32 $0x1, v10;
	v14 =	vld.idx.msk [tilespmem:v10+s23+$0x0], $0xffff  }
0x127: {  	v59 =	vor.u32 $0x6, v10;
	v56 =	vld.idx.msk [tilespmem:v12+s23+$0x0], $0xffff  }
0x128: {  	v27 =	vadd.f32 v27, v31;
	v60 =	vor.u32 $0x7, v10;
	v11 =	vadd.f32 v13, v11;
	v12 =	vld.idx.msk [tilespmem:v23+s23+$0x0], $0xffff  }
0x129: {  	v28 =	vadd.f32 v29, v28;
	v29 =	vadd.f32 v15, v30;
	v13 =	vor.u32 $0x4, v10;
	v15 =	vld.idx.msk [tilespmem:v57+s23+$0x0], $0xffff  }
0x12a: {  	v61 =	vadd.f32 v54, v24;
	v58 =	vadd.f32 v11, v1;
	v11 =	vld.idx.msk [tilespmem:v19+s23+$0x0], $0xffff;
	v19 =	vor.u32 $0x8, v10  }
0x12b: {  	v18 =	vadd.f32 v21, v18;
	v21 =	vor.u32 $0x9, v10;
	v17 =	vld.idx.msk [tilespmem:v17+s23+$0x0], $0xffff;
	v62 =	vadd.f32 v20, v16  }
0x12c: {  	v23 =	vor.u32 $0xA, v10;
	v16 =	vld.idx.msk [tilespmem:v59+s23+$0x0], $0xffff;
	v63 =	vadd.f32 v25, v22;
	v26 =	vadd.f32 v56, v26  }
0x12d: {  	s3 =	simm.s32 $0x10480;
	v24 =	vor.u32 $0xB, v10;
	v20 =	vadd.f32 v28, v27;
	v22 =	vadd.f32 v18, v29;
	v18 =	vld.idx.msk [tilespmem:v60+s23+$0x0], $0xffff  }
0x12e: {  	s4 =	simm.s32 $0x30;
	v27 =	vor.u32 $0xC, v10;
	[tilespmem:s3+$0x0] =	vst v58;
	v13 =	vld.idx.msk [tilespmem:v13+s23+$0x0], $0xffff;
	v25 =	vadd.f32 v62, v61;
	v26 =	vadd.f32 v26, v63  }
.LBB2_8:
0x12f: {  	v28 =	vmov s4;
	p0 =	sne.s32 s4, $0x70;
	v29 =	vld.idx.msk [tilespmem:v19+s23+$0x0], $0xffff;
	v19 =	vor.u32 $0xD, v10  }
0x130: {  	v20 =	vadd.f32 v22, v20;
	v30 =	vld.idx.msk [tilespmem:v21+s23+$0x0], $0xffff;
	v21 =	vor.u32 $0xE, v10;
	v22 =	vadd.f32 v26, v25  }
0x131: {  	v25 =	vshll.u32 v28, $0x7;
	v26 =	vor.u32 $0xF, v10;
	v23 =	vld.idx.msk [tilespmem:v23+s23+$0x0], $0xffff  }
0x132: {  	v10 =	vor.u32 v0, v25;
	v24 =	vld.idx.msk [tilespmem:v24+s23+$0x0], $0xffff;
	v20 =	vadd.f32 v22, v20  }
0x133: {  	v22 =	vor.u32 $0x1, v10;
	v25 =	vld.idx.msk [tilespmem:v27+s23+$0x0], $0xffff  }
0x134: {  	v27 =	vor.u32 $0x2, v10;
	v28 =	vld.idx.msk [tilespmem:v19+s23+$0x0], $0xffff;
	v19 =	vadd.f32 v20, v1  }
0x135: {  	s3 =	sadd.s32 $0x10, s3;
	v20 =	vor.u32 $0x3, v10;
	v31 =	vld.idx.msk [tilespmem:v21+s23+$0x0], $0xffff  }
0x136: {  	v21 =	vor.u32 $0x4, v10;
	v26 =	vld.idx.msk [tilespmem:v26+s23+$0x0], $0xffff;
	[tilespmem:s3+$0x0] =	vst v19  }
0x137: {  	v33 =	vor.u32 $0x5, v10;
	v32 =	vld.idx.msk [tilespmem:v10+s23+$0x0], $0xffff  }
0x138: {  	v34 =	vld.idx.msk [tilespmem:v22+s23+$0x0], $0xffff;
	v22 =	vor.u32 $0x6, v10  }
0x139: {  	v14 =	vadd.f32 v17, v14;
	v17 =	vadd.f32 v12, v11;
	v35 =	vor.u32 $0x7, v10;
	v11 =	vld.idx.msk [tilespmem:v27+s23+$0x0], $0xffff  }
.Ltmp3:
0x13a: {  	v18 =	vadd.f32 v18, v16;
	v19 =	vor.u32 $0x8, v10;
	v27 =	vadd.f32 v15, v13;
	v12 =	vld.idx.msk [tilespmem:v20+s23+$0x0], $0xffff;
	(pc) =	sbr.rel @p0 .LBB2_8-.Ltmp3, $4  }
0x13b: {  	v29 =	vadd.f32 v30, v29;
	v30 =	vadd.f32 v24, v23;
	v13 =	vld.idx.msk [tilespmem:v21+s23+$0x0], $0xffff;
	v21 =	vor.u32 $0x9, v10  }
0x13c: {  	v23 =	vor.u32 $0xA, v10;
	v28 =	vadd.f32 v28, v25;
	v26 =	vadd.f32 v26, v31;
	v15 =	vld.idx.msk [tilespmem:v33+s23+$0x0], $0xffff  }
0x13d: {  	v24 =	vor.u32 $0xB, v10;
	v20 =	vadd.f32 v17, v14;
	v14 =	vmovc v32;
	v16 =	vld.idx.msk [tilespmem:v22+s23+$0x0], $0xffff;
	v22 =	vadd.f32 v18, v27  }
0x13e: {  	s4 =	sadd.s32 $0x10, s4;
	v25 =	vadd.f32 v30, v29;
	v27 =	vor.u32 $0xC, v10;
	v26 =	vadd.f32 v26, v28;
	v17 =	vmovc v34;
	v18 =	vld.idx.msk [tilespmem:v35+s23+$0x0], $0xffff  }
0x13f: {  	_ =	sdelay $0x3  }
0x140: {  	v19 =	vld.idx.msk [tilespmem:v19+s23+$0x0], $0xffff;
	v28 =	vor.u32 $0xD, v10  }
0x141: {  	v21 =	vld.idx.msk [tilespmem:v21+s23+$0x0], $0xffff;
	v29 =	vor.u32 $0xE, v10  }
0x142: {  	v23 =	vld.idx.msk [tilespmem:v23+s23+$0x0], $0xffff;
	v10 =	vor.u32 $0xF, v10  }
0x143: {  	v24 =	vld.idx.msk [tilespmem:v24+s23+$0x0], $0xffff  }
0x144: {  	v27 =	vld.idx.msk [tilespmem:v27+s23+$0x0], $0xffff  }
0x145: {  	v28 =	vld.idx.msk [tilespmem:v28+s23+$0x0], $0xffff  }
0x146: {  	v29 =	vld.idx.msk [tilespmem:v29+s23+$0x0], $0xffff  }
0x147: {  	v10 =	vld.idx.msk [tilespmem:v10+s23+$0x0], $0xffff;
	_ =	sdelay $0x1  }
0x148: {  	v14 =	vadd.f32 v17, v14;
	v11 =	vadd.f32 v12, v11  }
0x149: {  	v12 =	vadd.f32 v15, v13;
	v13 =	vadd.f32 v18, v16  }
0x14a: {  	v15 =	vadd.f32 v21, v19;
	v16 =	vadd.f32 v24, v23  }
0x14b: {  	v17 =	vadd.f32 v28, v27;
	v10 =	vadd.f32 v10, v29  }
0x14c: {  	v11 =	vadd.f32 v11, v14;
	v12 =	vadd.f32 v13, v12  }
0x14d: {  	v13 =	vadd.f32 v16, v15;
	v10 =	vadd.f32 v10, v17  }
0x14e: {  	v14 =	vadd.f32 v22, v20;
	v15 =	vadd.f32 v26, v25  }
0x14f: {  	v11 =	vadd.f32 v12, v11;
	v10 =	vadd.f32 v10, v13  }
0x150: {  	v12 =	vadd.f32 v15, v14  }
0x151: {  	v10 =	vadd.f32 v10, v11  }
0x152: {  	v11 =	vadd.f32 v12, v1  }
0x153: {  	s3 =	sadd.s32 $0x10, s3;
	v10 =	vadd.f32 v10, v1  }
0x154: {  	[tilespmem:s3+$0x0] =	vst v11;
	s3 =	sadd.s32 $0x10, s3  }
0x155: {  	[tilespmem:s3+$0x0] =	vst v10  }
0x156: {  	[tilespmem:s18], [sflag:$0x2] =	stream.indirect.gather [hbm4b:s1+s15], $0x80, s29, s15, $0xb8;
	[tilespmem:$0x14700] =	vst v63  }
0x157: {  	_ = 	snop  }
0x158: {  	[tilespmem:s20], [sflag:$0x4] =	stream.indirect.gather [hbm4b:s2+s15], $0x80, s30, s15, $0xb8;
	[tilespmem:$0x14700] =	vst v63  }
0x159: {  	_ =	swait.ge [sflag:s21], $0x4000  }
0x15a: {  	[sflag:s21] =	ssyncset.done $0x0  }
0x15b: {  	[sflag:s21] =	ssyncadd.s32 $0xFFFFC000  }
0x15c: {  	_ =	swait.ge [sflag:s22], $0x4000  }
0x15d: {  	[sflag:s22] =	ssyncset.done $0x0  }
0x15e: {  	s5 =	simm.s32 $0x0;
	[sflag:s22] =	ssyncadd.s32 $0xFFFFC000  }
0x15f: {  	v11 =	vld [tilespmem:s5+$0x420]  }
0x160: {  	v12 =	vld [tilespmem:s5+$0x400]  }
0x161: {  	v13 =	vld [tilespmem:s5+$0x8400]  }
0x162: {  	v14 =	vld [tilespmem:s5+$0x410]  }
0x163: {  	v15 =	vld [tilespmem:s5+$0x8410]  }
0x164: {  	v16 =	vld [tilespmem:s5+$0x8420]  }
0x165: {  	v10 =	vld [tilespmem:s5+$0x470]  }
0x166: {  	v17 =	vld [tilespmem:s5+$0x430]  }
0x167: {  	v18 =	vld [tilespmem:s5+$0x8430]  }
0x168: {  	v12 =	vmul.f32 v13, v12;
	v13 =	vmul.f32 v15, v14;
	v14 =	vld [tilespmem:s5+$0x440]  }
0x169: {  	v11 =	vmul.f32 v16, v11;
	v15 =	vld [tilespmem:s5+$0x8440]  }
0x16a: {  	v19 =	vld [tilespmem:s5+$0x8450];
	v12 =	vmul.f32 v12, v8;
	v13 =	vmul.f32 v13, v9  }
0x16b: {  	v16 =	vld [tilespmem:s5+$0x450]  }
0x16c: {  	v20 =	vld [tilespmem:s5+$0x460];
	v11 =	vmul.f32 v11, v7;
	v12 =	vadd.f32 v13, v12;
	v13 =	vmul.f32 v18, v17  }
0x16d: {  	v63 =	vld [tilespmem:s5+$0x8460]  }
0x16e: {  	s3 =	simm.s32 $0x80;
	v14 =	vmul.f32 v15, v14;
	v17 =	vadd.f32 v11, v12;
	v18 =	vmul.f32 v13, v6;
	v11 =	vld [tilespmem:s5+$0x8470]  }
0x16f: {  	v12 =	vld [tilespmem:s3+$0x420]  }
0x170: {  	v16 =	vmul.f32 v19, v16;
	v13 =	vld [tilespmem:s3+$0x400];
	v14 =	vmul.f32 v14, v5;
	v15 =	vadd.f32 v18, v17  }
0x171: {  	v17 =	vld [tilespmem:s3+$0x8400]  }
0x172: {  	s4 =	simm.s32 $0x0;
	s13 =	simm.s32 $0x400;
	v16 =	vmul.f32 v16, v4;
	v18 =	vld [tilespmem:s3+$0x410];
	v14 =	vadd.f32 v14, v15;
	v15 =	vmul.f32 v63, v20  }
.LBB2_10:
0x173: {  	p0 =	sne.s32 s13, $0xFE00;
	v19 =	vld [tilespmem:s3+$0x8410]  }
0x174: {  	v11 =	vmul.f32 v11, v10;
	v20 =	vld [tilespmem:s3+$0x8420];
	v14 =	vadd.f32 v16, v14;
	v15 =	vmul.f32 v15, v3  }
0x175: {  	v10 =	vld [tilespmem:s3+$0x470]  }
0x176: {  	v11 =	vmul.f32 v11, v2;
	v16 =	vld [tilespmem:s3+$0x430];
	v14 =	vadd.f32 v15, v14  }
0x177: {  	v15 =	vld [tilespmem:s3+$0x8430]  }
0x178: {  	v13 =	vmul.f32 v17, v13;
	v17 =	vmul.f32 v19, v18;
	v18 =	vld [tilespmem:s3+$0x440];
	v11 =	vadd.f32 v11, v14  }
0x179: {  	v12 =	vmul.f32 v20, v12;
	v14 =	vld [tilespmem:s3+$0x8440]  }
0x17a: {  	v13 =	vmul.f32 v13, v8;
	v17 =	vmul.f32 v17, v9;
	v19 =	vld [tilespmem:s3+$0x450];
	[tilespmem:s5+$0x10700] =	vst v11;
	s5 =	smov.u32 s3  }
0x17b: {  	v20 =	vld [tilespmem:s5+$0x8450]  }
0x17c: {  	v12 =	vmul.f32 v12, v7;
	v11 =	vadd.f32 v17, v13;
	v13 =	vmul.f32 v15, v16;
	v15 =	vld [tilespmem:s5+$0x460]  }
0x17d: {  	v21 =	vld [tilespmem:s5+$0x8460]  }
.Ltmp4:
0x17e: {  	s3 =	sshra.s32 s13, $0x2;
	v16 =	vadd.f32 v12, v11;
	v17 =	vmul.f32 v13, v6;
	v14 =	vmul.f32 v14, v18;
	v11 =	vld [tilespmem:s5+$0x8470];
	(pc) =	sbr.rel @p0 .LBB2_10-.Ltmp4, $4  }
0x17f: {  	v12 =	vld [tilespmem:s3+$0x420]  }
0x180: {  	v13 =	vld [tilespmem:s3+$0x400];
	v16 =	vadd.f32 v17, v16;
	v14 =	vmul.f32 v14, v5;
	v19 =	vmul.f32 v20, v19  }
0x181: {  	v17 =	vld [tilespmem:s3+$0x8400]  }
0x182: {  	s13 =	sadd.s32 $0x200, s13;
	v18 =	vld [tilespmem:s3+$0x410];
	v14 =	vadd.f32 v14, v16;
	v16 =	vmul.f32 v19, v4;
	v15 =	vmul.f32 v21, v15  }
0x183: {  	v19 =	vld [tilespmem:s3+$0x8410]  }
0x184: {  	v20 =	vld [tilespmem:s3+$0x8420];
	_ =	sdelay $0x1  }
0x185: {  	v21 =	vld [tilespmem:s3+$0x430]  }
0x186: {  	v22 =	vld [tilespmem:s3+$0x8430]  }
0x187: {  	v13 =	vmul.f32 v17, v13;
	v17 =	vmul.f32 v19, v18;
	v18 =	vld [tilespmem:s3+$0x440]  }
0x188: {  	v12 =	vmul.f32 v20, v12;
	v19 =	vld [tilespmem:s3+$0x8440]  }
0x189: {  	v23 =	vld [tilespmem:s3+$0x8450];
	v13 =	vmul.f32 v13, v8;
	v17 =	vmul.f32 v17, v9  }
0x18a: {  	v20 =	vld [tilespmem:s3+$0x450]  }
0x18b: {  	v12 =	vmul.f32 v12, v7;
	v13 =	vadd.f32 v17, v13;
	v17 =	vmul.f32 v22, v21  }
0x18c: {  	v10 =	vmul.f32 v11, v10;
	v14 =	vadd.f32 v16, v14;
	v15 =	vmul.f32 v15, v3;
	v21 =	vld [tilespmem:s3+$0x460]  }
0x18d: {  	v22 =	vld [tilespmem:s3+$0x8460];
	v12 =	vadd.f32 v12, v13;
	v13 =	vmul.f32 v17, v6;
	v17 =	vmul.f32 v19, v18  }
0x18e: {  	v10 =	vmul.f32 v10, v2;
	v14 =	vadd.f32 v15, v14;
	v18 =	vld [tilespmem:s3+$0x470]  }
0x18f: {  	v19 =	vld [tilespmem:s3+$0x8470];
	v12 =	vadd.f32 v13, v12;
	v13 =	vmul.f32 v17, v5;
	v17 =	vmul.f32 v23, v20  }
0x190: {  	v10 =	vadd.f32 v10, v14  }
0x191: {  	v12 =	vadd.f32 v13, v12;
	v13 =	vmul.f32 v17, v4  }
0x192: {  	[tilespmem:s5+$0x10700] =	vst v10;
	s5 =	simm.s32 $0x10;
	v16 =	vmul.f32 v22, v21  }
0x193: {  	v25 =	vmov s5;
	v11 =	vadd.f32 v13, v12  }
0x194: {  	v12 =	vmul.f32 v16, v3;
	v13 =	vmul.f32 v19, v18;
	v16 =	vmov s4  }
0x195: {  	v25 =	vshll.u32 v25, $0x7;
	v15 =	vshll.u32 v16, $0x7  }
0x196: {  	v11 =	vadd.f32 v12, v11;
	v12 =	vmul.f32 v13, v2;
	v13 =	vor.u32 v0, v15  }
0x197: {  	v25 =	vor.u32 v0, v25  }
0x198: {  	v27 =	vor.u32 $0x1, v25;
	v11 =	vadd.f32 v12, v11  }
0x199: {  	v28 =	vor.u32 $0x2, v25  }
0x19a: {  	v29 =	vor.u32 $0x3, v25;
	[tilespmem:s3+$0x10700] =	vst v11  }
0x19b: {  	v14 =	vor.u32 $0x1, v13;
	v15 =	vld.idx.msk [tilespmem:v13+s23+$0x0], $0xffff  }
0x19c: {  	v10 =	vor.u32 $0x3, v13;
	v31 =	vld.idx.msk [tilespmem:v25+s23+$0x0], $0xffff  }
0x19d: {  	v16 =	vor.u32 $0x5, v13;
	v27 =	vld.idx.msk [tilespmem:v27+s23+$0x0], $0xffff  }
0x19e: {  	v17 =	vor.u32 $0x6, v13;
	v28 =	vld.idx.msk [tilespmem:v28+s23+$0x0], $0xffff  }
0x19f: {  	v18 =	vor.u32 $0x7, v13;
	v29 =	vld.idx.msk [tilespmem:v29+s23+$0x0], $0xffff  }
0x1a0: {  	v19 =	vor.u32 $0x8, v13;
	v14 =	vld.idx.msk [tilespmem:v14+s23+$0x0], $0xffff  }
0x1a1: {  	v20 =	vor.u32 $0x9, v13;
	v10 =	vld.idx.msk [tilespmem:v10+s23+$0x0], $0xffff  }
0x1a2: {  	v21 =	vor.u32 $0xA, v13;
	v16 =	vld.idx.msk [tilespmem:v16+s23+$0x0], $0xffff  }
0x1a3: {  	v22 =	vor.u32 $0xB, v13;
	v17 =	vld.idx.msk [tilespmem:v17+s23+$0x0], $0xffff  }
0x1a4: {  	v23 =	vor.u32 $0xC, v13;
	v18 =	vld.idx.msk [tilespmem:v18+s23+$0x0], $0xffff  }
0x1a5: {  	v24 =	vor.u32 $0xD, v13;
	v19 =	vld.idx.msk [tilespmem:v19+s23+$0x0], $0xffff  }
0x1a6: {  	v12 =	vor.u32 $0x2, v13;
	v20 =	vld.idx.msk [tilespmem:v20+s23+$0x0], $0xffff  }
0x1a7: {  	v11 =	vor.u32 $0x4, v13;
	v21 =	vld.idx.msk [tilespmem:v21+s23+$0x0], $0xffff  }
0x1a8: {  	v26 =	vor.u32 $0xE, v13;
	v22 =	vld.idx.msk [tilespmem:v22+s23+$0x0], $0xffff  }
0x1a9: {  	v13 =	vor.u32 $0xF, v13;
	v23 =	vld.idx.msk [tilespmem:v23+s23+$0x0], $0xffff  }
0x1aa: {  	v30 =	vor.u32 $0x4, v25;
	v24 =	vld.idx.msk [tilespmem:v24+s23+$0x0], $0xffff  }
0x1ab: {  	v36 =	vor.u32 $0x9, v25;
	v12 =	vld.idx.msk [tilespmem:v12+s23+$0x0], $0xffff  }
0x1ac: {  	v32 =	vor.u32 $0x5, v25;
	v11 =	vld.idx.msk [tilespmem:v11+s23+$0x0], $0xffff  }
0x1ad: {  	v34 =	vor.u32 $0x7, v25;
	v26 =	vld.idx.msk [tilespmem:v26+s23+$0x0], $0xffff  }
0x1ae: {  	v35 =	vor.u32 $0x8, v25;
	v13 =	vld.idx.msk [tilespmem:v13+s23+$0x0], $0xffff  }
0x1af: {  	v33 =	vor.u32 $0x6, v25;
	v30 =	vld.idx.msk [tilespmem:v30+s23+$0x0], $0xffff;
	v14 =	vadd.f32 v14, v15;
	v19 =	vadd.f32 v20, v19  }
0x1b0: {  	v54 =	vld.idx.msk [tilespmem:v36+s23+$0x0], $0xffff;
	v20 =	vadd.f32 v22, v21;
	v22 =	vor.u32 $0xC, v25;
	v10 =	vadd.f32 v10, v12  }
0x1b1: {  	v15 =	vld.idx.msk [tilespmem:v32+s23+$0x0], $0xffff;
	v23 =	vadd.f32 v24, v23;
	v12 =	vor.u32 $0xA, v25;
	v11 =	vadd.f32 v16, v11  }
0x1b2: {  	s13 =	simm.s32 $0x20;
	v21 =	vld.idx.msk [tilespmem:v34+s23+$0x0], $0xffff;
	v16 =	vadd.f32 v18, v17;
	v17 =	vor.u32 $0xB, v25;
	v14 =	vadd.f32 v10, v14  }
0x1b3: {  	v24 =	vld.idx.msk [tilespmem:v35+s23+$0x0], $0xffff;
	v10 =	vmov s13;
	v13 =	vadd.f32 v13, v26;
	v26 =	vor.u32 $0xD, v25  }
0x1b4: {  	v55 =	vor.u32 $0xE, v25;
	v18 =	vld.idx.msk [tilespmem:v33+s23+$0x0], $0xffff;
	v10 =	vshll.u32 v10, $0x7  }
0x1b5: {  	v10 =	vor.u32 v0, v10;
	v22 =	vld.idx.msk [tilespmem:v22+s23+$0x0], $0xffff  }
0x1b6: {  	v11 =	vadd.f32 v16, v11;
	v16 =	vld.idx.msk [tilespmem:v12+s23+$0x0], $0xffff;
	v12 =	vor.u32 $0xF, v25  }
0x1b7: {  	v19 =	vadd.f32 v20, v19;
	v13 =	vadd.f32 v13, v23;
	v23 =	vor.u32 $0x3, v10;
	v20 =	vld.idx.msk [tilespmem:v17+s23+$0x0], $0xffff  }
0x1b8: {  	v57 =	vor.u32 $0x5, v10;
	v25 =	vld.idx.msk [tilespmem:v26+s23+$0x0], $0xffff  }
0x1b9: {  	v13 =	vadd.f32 v13, v19;
	v19 =	vor.u32 $0x2, v10;
	v26 =	vld.idx.msk [tilespmem:v55+s23+$0x0], $0xffff  }
0x1ba: {  	v11 =	vadd.f32 v11, v14;
	v17 =	vor.u32 $0x1, v10;
	v14 =	vld.idx.msk [tilespmem:v10+s23+$0x0], $0xffff  }
0x1bb: {  	v59 =	vor.u32 $0x6, v10;
	v56 =	vld.idx.msk [tilespmem:v12+s23+$0x0], $0xffff  }
0x1bc: {  	v27 =	vadd.f32 v27, v31;
	v60 =	vor.u32 $0x7, v10;
	v11 =	vadd.f32 v13, v11;
	v12 =	vld.idx.msk [tilespmem:v23+s23+$0x0], $0xffff  }
0x1bd: {  	v28 =	vadd.f32 v29, v28;
	v29 =	vadd.f32 v15, v30;
	v13 =	vor.u32 $0x4, v10;
	v15 =	vld.idx.msk [tilespmem:v57+s23+$0x0], $0xffff  }
0x1be: {  	v61 =	vadd.f32 v54, v24;
	v58 =	vadd.f32 v11, v1;
	v11 =	vld.idx.msk [tilespmem:v19+s23+$0x0], $0xffff;
	v19 =	vor.u32 $0x8, v10  }
0x1bf: {  	v18 =	vadd.f32 v21, v18;
	v21 =	vor.u32 $0x9, v10;
	v17 =	vld.idx.msk [tilespmem:v17+s23+$0x0], $0xffff;
	v62 =	vadd.f32 v20, v16  }
0x1c0: {  	v23 =	vor.u32 $0xA, v10;
	v16 =	vld.idx.msk [tilespmem:v59+s23+$0x0], $0xffff;
	v63 =	vadd.f32 v25, v22;
	v26 =	vadd.f32 v56, v26  }
0x1c1: {  	s3 =	simm.s32 $0x10500;
	v24 =	vor.u32 $0xB, v10;
	v20 =	vadd.f32 v28, v27;
	v22 =	vadd.f32 v18, v29;
	v18 =	vld.idx.msk [tilespmem:v60+s23+$0x0], $0xffff  }
0x1c2: {  	s4 =	simm.s32 $0x30;
	v27 =	vor.u32 $0xC, v10;
	[tilespmem:s3+$0x0] =	vst v58;
	v13 =	vld.idx.msk [tilespmem:v13+s23+$0x0], $0xffff;
	v25 =	vadd.f32 v62, v61;
	v26 =	vadd.f32 v26, v63  }
.LBB2_12:
0x1c3: {  	v28 =	vmov s4;
	p0 =	sne.s32 s4, $0x70;
	v29 =	vld.idx.msk [tilespmem:v19+s23+$0x0], $0xffff;
	v19 =	vor.u32 $0xD, v10  }
0x1c4: {  	v20 =	vadd.f32 v22, v20;
	v30 =	vld.idx.msk [tilespmem:v21+s23+$0x0], $0xffff;
	v21 =	vor.u32 $0xE, v10;
	v22 =	vadd.f32 v26, v25  }
0x1c5: {  	v25 =	vshll.u32 v28, $0x7;
	v26 =	vor.u32 $0xF, v10;
	v23 =	vld.idx.msk [tilespmem:v23+s23+$0x0], $0xffff  }
0x1c6: {  	v10 =	vor.u32 v0, v25;
	v24 =	vld.idx.msk [tilespmem:v24+s23+$0x0], $0xffff;
	v20 =	vadd.f32 v22, v20  }
0x1c7: {  	v22 =	vor.u32 $0x1, v10;
	v25 =	vld.idx.msk [tilespmem:v27+s23+$0x0], $0xffff  }
0x1c8: {  	v27 =	vor.u32 $0x2, v10;
	v28 =	vld.idx.msk [tilespmem:v19+s23+$0x0], $0xffff;
	v19 =	vadd.f32 v20, v1  }
0x1c9: {  	s3 =	sadd.s32 $0x10, s3;
	v20 =	vor.u32 $0x3, v10;
	v31 =	vld.idx.msk [tilespmem:v21+s23+$0x0], $0xffff  }
0x1ca: {  	v21 =	vor.u32 $0x4, v10;
	v26 =	vld.idx.msk [tilespmem:v26+s23+$0x0], $0xffff;
	[tilespmem:s3+$0x0] =	vst v19  }
0x1cb: {  	v33 =	vor.u32 $0x5, v10;
	v32 =	vld.idx.msk [tilespmem:v10+s23+$0x0], $0xffff  }
0x1cc: {  	v34 =	vld.idx.msk [tilespmem:v22+s23+$0x0], $0xffff;
	v22 =	vor.u32 $0x6, v10  }
0x1cd: {  	v14 =	vadd.f32 v17, v14;
	v17 =	vadd.f32 v12, v11;
	v35 =	vor.u32 $0x7, v10;
	v11 =	vld.idx.msk [tilespmem:v27+s23+$0x0], $0xffff  }
.Ltmp5:
0x1ce: {  	v18 =	vadd.f32 v18, v16;
	v19 =	vor.u32 $0x8, v10;
	v27 =	vadd.f32 v15, v13;
	v12 =	vld.idx.msk [tilespmem:v20+s23+$0x0], $0xffff;
	(pc) =	sbr.rel @p0 .LBB2_12-.Ltmp5, $4  }
0x1cf: {  	v29 =	vadd.f32 v30, v29;
	v30 =	vadd.f32 v24, v23;
	v13 =	vld.idx.msk [tilespmem:v21+s23+$0x0], $0xffff;
	v21 =	vor.u32 $0x9, v10  }
0x1d0: {  	v23 =	vor.u32 $0xA, v10;
	v28 =	vadd.f32 v28, v25;
	v26 =	vadd.f32 v26, v31;
	v15 =	vld.idx.msk [tilespmem:v33+s23+$0x0], $0xffff  }
0x1d1: {  	v24 =	vor.u32 $0xB, v10;
	v20 =	vadd.f32 v17, v14;
	v14 =	vmovc v32;
	v16 =	vld.idx.msk [tilespmem:v22+s23+$0x0], $0xffff;
	v22 =	vadd.f32 v18, v27  }
0x1d2: {  	s4 =	sadd.s32 $0x10, s4;
	v25 =	vadd.f32 v30, v29;
	v27 =	vor.u32 $0xC, v10;
	v26 =	vadd.f32 v26, v28;
	v17 =	vmovc v34;
	v18 =	vld.idx.msk [tilespmem:v35+s23+$0x0], $0xffff  }
0x1d3: {  	_ =	sdelay $0x3  }
0x1d4: {  	v19 =	vld.idx.msk [tilespmem:v19+s23+$0x0], $0xffff;
	v28 =	vor.u32 $0xD, v10  }
0x1d5: {  	v21 =	vld.idx.msk [tilespmem:v21+s23+$0x0], $0xffff;
	v29 =	vor.u32 $0xE, v10  }
0x1d6: {  	v23 =	vld.idx.msk [tilespmem:v23+s23+$0x0], $0xffff;
	v10 =	vor.u32 $0xF, v10  }
0x1d7: {  	v24 =	vld.idx.msk [tilespmem:v24+s23+$0x0], $0xffff  }
0x1d8: {  	v27 =	vld.idx.msk [tilespmem:v27+s23+$0x0], $0xffff  }
0x1d9: {  	v28 =	vld.idx.msk [tilespmem:v28+s23+$0x0], $0xffff  }
0x1da: {  	v29 =	vld.idx.msk [tilespmem:v29+s23+$0x0], $0xffff  }
0x1db: {  	v10 =	vld.idx.msk [tilespmem:v10+s23+$0x0], $0xffff;
	_ =	sdelay $0x1  }
0x1dc: {  	v14 =	vadd.f32 v17, v14;
	v11 =	vadd.f32 v12, v11  }
0x1dd: {  	v12 =	vadd.f32 v15, v13;
	v13 =	vadd.f32 v18, v16  }
0x1de: {  	v15 =	vadd.f32 v21, v19;
	v16 =	vadd.f32 v24, v23  }
0x1df: {  	v17 =	vadd.f32 v28, v27;
	v10 =	vadd.f32 v10, v29  }
0x1e0: {  	v11 =	vadd.f32 v11, v14;
	v12 =	vadd.f32 v13, v12  }
0x1e1: {  	v13 =	vadd.f32 v16, v15;
	v10 =	vadd.f32 v10, v17  }
0x1e2: {  	v14 =	vadd.f32 v22, v20;
	v15 =	vadd.f32 v26, v25  }
0x1e3: {  	v11 =	vadd.f32 v12, v11;
	v10 =	vadd.f32 v10, v13  }
0x1e4: {  	v12 =	vadd.f32 v15, v14  }
0x1e5: {  	v10 =	vadd.f32 v10, v11  }
0x1e6: {  	v11 =	vadd.f32 v12, v1  }
0x1e7: {  	s3 =	sadd.s32 $0x10, s3;
	v10 =	vadd.f32 v10, v1  }
0x1e8: {  	[tilespmem:s3+$0x0] =	vst v11;
	s3 =	sadd.s32 $0x10, s3  }
0x1e9: {  	[tilespmem:s3+$0x0] =	vst v10  }
0x1ea: {  	_ =	swait.ge [sflag:s26], $0x4000  }
0x1eb: {  	[sflag:s26] =	ssyncset.done $0x0  }
0x1ec: {  	[sflag:s26] =	ssyncadd.s32 $0xFFFFC000  }
0x1ed: {  	_ =	swait.ge [sflag:s28], $0x4000  }
0x1ee: {  	[sflag:s28] =	ssyncset.done $0x0  }
0x1ef: {  	s5 =	simm.s32 $0x0;
	[sflag:s28] =	ssyncadd.s32 $0xFFFFC000  }
0x1f0: {  	v11 =	vld [tilespmem:s5+$0x4420]  }
0x1f1: {  	v12 =	vld [tilespmem:s5+$0x4400]  }
0x1f2: {  	v13 =	vld [tilespmem:s5+$0xC400]  }
0x1f3: {  	v14 =	vld [tilespmem:s5+$0x4410]  }
0x1f4: {  	v15 =	vld [tilespmem:s5+$0xC410]  }
0x1f5: {  	v16 =	vld [tilespmem:s5+$0xC420]  }
0x1f6: {  	v10 =	vld [tilespmem:s5+$0x4470]  }
0x1f7: {  	v17 =	vld [tilespmem:s5+$0x4430]  }
0x1f8: {  	v18 =	vld [tilespmem:s5+$0xC430]  }
0x1f9: {  	v12 =	vmul.f32 v13, v12;
	v13 =	vmul.f32 v15, v14;
	v14 =	vld [tilespmem:s5+$0x4440]  }
0x1fa: {  	v11 =	vmul.f32 v16, v11;
	v15 =	vld [tilespmem:s5+$0xC440]  }
0x1fb: {  	v19 =	vld [tilespmem:s5+$0xC450];
	v12 =	vmul.f32 v12, v8;
	v13 =	vmul.f32 v13, v9  }
0x1fc: {  	v16 =	vld [tilespmem:s5+$0x4450]  }
0x1fd: {  	v20 =	vld [tilespmem:s5+$0x4460];
	v11 =	vmul.f32 v11, v7;
	v12 =	vadd.f32 v13, v12;
	v13 =	vmul.f32 v18, v17  }
0x1fe: {  	v63 =	vld [tilespmem:s5+$0xC460]  }
0x1ff: {  	s3 =	simm.s32 $0x80;
	v14 =	vmul.f32 v15, v14;
	v17 =	vadd.f32 v11, v12;
	v18 =	vmul.f32 v13, v6;
	v11 =	vld [tilespmem:s5+$0xC470]  }
0x200: {  	v12 =	vld [tilespmem:s3+$0x4420]  }
0x201: {  	v16 =	vmul.f32 v19, v16;
	v13 =	vld [tilespmem:s3+$0x4400];
	v14 =	vmul.f32 v14, v5;
	v15 =	vadd.f32 v18, v17  }
0x202: {  	v17 =	vld [tilespmem:s3+$0xC400]  }
0x203: {  	s4 =	simm.s32 $0x0;
	s13 =	simm.s32 $0x400;
	v16 =	vmul.f32 v16, v4;
	v18 =	vld [tilespmem:s3+$0x4410];
	v14 =	vadd.f32 v14, v15;
	v15 =	vmul.f32 v63, v20  }
.LBB2_14:
0x204: {  	p0 =	sne.s32 s13, $0xFE00;
	v19 =	vld [tilespmem:s3+$0xC410]  }
0x205: {  	v11 =	vmul.f32 v11, v10;
	v20 =	vld [tilespmem:s3+$0xC420];
	v14 =	vadd.f32 v16, v14;
	v15 =	vmul.f32 v15, v3  }
0x206: {  	v10 =	vld [tilespmem:s3+$0x4470]  }
0x207: {  	v11 =	vmul.f32 v11, v2;
	v16 =	vld [tilespmem:s3+$0x4430];
	v14 =	vadd.f32 v15, v14  }
0x208: {  	v15 =	vld [tilespmem:s3+$0xC430]  }
0x209: {  	v13 =	vmul.f32 v17, v13;
	v17 =	vmul.f32 v19, v18;
	v18 =	vld [tilespmem:s3+$0x4440];
	v11 =	vadd.f32 v11, v14  }
0x20a: {  	v12 =	vmul.f32 v20, v12;
	v14 =	vld [tilespmem:s3+$0xC440]  }
0x20b: {  	v13 =	vmul.f32 v13, v8;
	v17 =	vmul.f32 v17, v9;
	v19 =	vld [tilespmem:s3+$0x4450];
	[tilespmem:s5+$0x10700] =	vst v11;
	s5 =	smov.u32 s3  }
0x20c: {  	v20 =	vld [tilespmem:s5+$0xC450]  }
0x20d: {  	v12 =	vmul.f32 v12, v7;
	v11 =	vadd.f32 v17, v13;
	v13 =	vmul.f32 v15, v16;
	v15 =	vld [tilespmem:s5+$0x4460]  }
0x20e: {  	v21 =	vld [tilespmem:s5+$0xC460]  }
.Ltmp6:
0x20f: {  	s3 =	sshra.s32 s13, $0x2;
	v16 =	vadd.f32 v12, v11;
	v17 =	vmul.f32 v13, v6;
	v14 =	vmul.f32 v14, v18;
	v11 =	vld [tilespmem:s5+$0xC470];
	(pc) =	sbr.rel @p0 .LBB2_14-.Ltmp6, $4  }
0x210: {  	v12 =	vld [tilespmem:s3+$0x4420]  }
0x211: {  	v13 =	vld [tilespmem:s3+$0x4400];
	v16 =	vadd.f32 v17, v16;
	v14 =	vmul.f32 v14, v5;
	v19 =	vmul.f32 v20, v19  }
0x212: {  	v17 =	vld [tilespmem:s3+$0xC400]  }
0x213: {  	s13 =	sadd.s32 $0x200, s13;
	v18 =	vld [tilespmem:s3+$0x4410];
	v14 =	vadd.f32 v14, v16;
	v16 =	vmul.f32 v19, v4;
	v15 =	vmul.f32 v21, v15  }
0x214: {  	v19 =	vld [tilespmem:s3+$0xC410]  }
0x215: {  	v20 =	vld [tilespmem:s3+$0xC420];
	_ =	sdelay $0x1  }
0x216: {  	v21 =	vld [tilespmem:s3+$0x4430]  }
0x217: {  	v22 =	vld [tilespmem:s3+$0xC430]  }
0x218: {  	v13 =	vmul.f32 v17, v13;
	v17 =	vmul.f32 v19, v18;
	v18 =	vld [tilespmem:s3+$0x4440]  }
0x219: {  	v12 =	vmul.f32 v20, v12;
	v19 =	vld [tilespmem:s3+$0xC440]  }
0x21a: {  	v8 =	vmul.f32 v13, v8;
	v13 =	vld [tilespmem:s3+$0x4450];
	v9 =	vmul.f32 v17, v9  }
0x21b: {  	v17 =	vld [tilespmem:s3+$0xC450]  }
0x21c: {  	v7 =	vmul.f32 v12, v7;
	v8 =	vadd.f32 v9, v8;
	v9 =	vmul.f32 v22, v21  }
0x21d: {  	v20 =	vld [tilespmem:s3+$0xC460]  }
0x21e: {  	v12 =	vld [tilespmem:s3+$0x4460];
	v7 =	vadd.f32 v7, v8;
	v6 =	vmul.f32 v9, v6;
	v8 =	vmul.f32 v19, v18  }
0x21f: {  	v9 =	vld [tilespmem:s3+$0x4470]  }
0x220: {  	v18 =	vld [tilespmem:s3+$0xC470];
	v6 =	vadd.f32 v6, v7;
	v5 =	vmul.f32 v8, v5;
	v7 =	vmul.f32 v17, v13;
	_ =	sdelay $0x1  }
0x221: {  	v5 =	vadd.f32 v5, v6;
	v4 =	vmul.f32 v7, v4  }
0x222: {  	v10 =	vmul.f32 v11, v10;
	v7 =	vmul.f32 v20, v12  }
0x223: {  	v8 =	vmul.f32 v15, v3;
	v6 =	vadd.f32 v16, v14;
	v4 =	vadd.f32 v4, v5  }
0x224: {  	v3 =	vmul.f32 v7, v3;
	v5 =	vmul.f32 v18, v9;
	v7 =	vmov s4  }
0x225: {  	v6 =	vadd.f32 v8, v6;
	v8 =	vmul.f32 v10, v2;
	v7 =	vshll.u32 v7, $0x7  }
0x226: {  	v3 =	vadd.f32 v3, v4;
	v2 =	vmul.f32 v5, v2;
	v4 =	vor.u32 v0, v7  }
0x227: {  	v5 =	vadd.f32 v8, v6;
	v6 =	vor.u32 $0x1, v4  }
0x228: {  	v8 =	vor.u32 $0x5, v4;
	v2 =	vadd.f32 v2, v3  }
0x229: {  	v9 =	vor.u32 $0x6, v4;
	[tilespmem:s5+$0x10700] =	vst v5  }
0x22a: {  	v10 =	vor.u32 $0x7, v4;
	[tilespmem:s3+$0x10700] =	vst v2  }
0x22b: {  	v11 =	vor.u32 $0x8, v4;
	v7 =	vld.idx.msk [tilespmem:v4+s23+$0x0], $0xffff  }
0x22c: {  	v12 =	vor.u32 $0x9, v4;
	v6 =	vld.idx.msk [tilespmem:v6+s23+$0x0], $0xffff  }
0x22d: {  	v13 =	vor.u32 $0xA, v4;
	v8 =	vld.idx.msk [tilespmem:v8+s23+$0x0], $0xffff  }
0x22e: {  	v14 =	vor.u32 $0xB, v4;
	v9 =	vld.idx.msk [tilespmem:v9+s23+$0x0], $0xffff  }
0x22f: {  	v15 =	vor.u32 $0xC, v4;
	v10 =	vld.idx.msk [tilespmem:v10+s23+$0x0], $0xffff  }
0x230: {  	v16 =	vor.u32 $0xD, v4;
	v11 =	vld.idx.msk [tilespmem:v11+s23+$0x0], $0xffff  }
0x231: {  	v18 =	vor.u32 $0xE, v4;
	v12 =	vld.idx.msk [tilespmem:v12+s23+$0x0], $0xffff  }
0x232: {  	v3 =	vor.u32 $0x2, v4;
	v13 =	vld.idx.msk [tilespmem:v13+s23+$0x0], $0xffff  }
0x233: {  	v5 =	vor.u32 $0x3, v4;
	s5 =	simm.s32 $0x10;
	v14 =	vld.idx.msk [tilespmem:v14+s23+$0x0], $0xffff  }
0x234: {  	v17 =	vmov s5;
	v2 =	vor.u32 $0x4, v4;
	v15 =	vld.idx.msk [tilespmem:v15+s23+$0x0], $0xffff  }
0x235: {  	v17 =	vshll.u32 v17, $0x7;
	v4 =	vor.u32 $0xF, v4;
	v16 =	vld.idx.msk [tilespmem:v16+s23+$0x0], $0xffff  }
0x236: {  	v17 =	vor.u32 v0, v17;
	v18 =	vld.idx.msk [tilespmem:v18+s23+$0x0], $0xffff  }
0x237: {  	v19 =	vor.u32 $0x1, v17;
	v3 =	vld.idx.msk [tilespmem:v3+s23+$0x0], $0xffff  }
0x238: {  	v20 =	vor.u32 $0x2, v17;
	v5 =	vld.idx.msk [tilespmem:v5+s23+$0x0], $0xffff  }
0x239: {  	v51 =	vor.u32 $0x3, v17;
	v2 =	vld.idx.msk [tilespmem:v2+s23+$0x0], $0xffff  }
0x23a: {  	v52 =	vor.u32 $0x4, v17;
	v4 =	vld.idx.msk [tilespmem:v4+s23+$0x0], $0xffff  }
0x23b: {  	v26 =	vor.u32 $0x7, v17;
	v23 =	vld.idx.msk [tilespmem:v17+s23+$0x0], $0xffff  }
0x23c: {  	v27 =	vor.u32 $0x8, v17;
	v19 =	vld.idx.msk [tilespmem:v19+s23+$0x0], $0xffff  }
0x23d: {  	v28 =	vor.u32 $0x9, v17;
	v20 =	vld.idx.msk [tilespmem:v20+s23+$0x0], $0xffff  }
0x23e: {  	v24 =	vor.u32 $0x5, v17;
	v21 =	vld.idx.msk [tilespmem:v51+s23+$0x0], $0xffff  }
0x23f: {  	v25 =	vor.u32 $0x6, v17;
	v22 =	vld.idx.msk [tilespmem:v52+s23+$0x0], $0xffff;
	v6 =	vadd.f32 v6, v7  }
0x240: {  	v7 =	vor.u32 $0xA, v17;
	v11 =	vadd.f32 v12, v11;
	v12 =	vadd.f32 v14, v13;
	v13 =	vld.idx.msk [tilespmem:v26+s23+$0x0], $0xffff  }
0x241: {  	v14 =	vor.u32 $0xC, v17;
	v15 =	vadd.f32 v16, v15;
	v16 =	vld.idx.msk [tilespmem:v27+s23+$0x0], $0xffff;
	v3 =	vadd.f32 v5, v3  }
0x242: {  	v53 =	vld.idx.msk [tilespmem:v28+s23+$0x0], $0xffff;
	v2 =	vadd.f32 v8, v2;
	v8 =	vadd.f32 v10, v9;
	v9 =	vor.u32 $0xB, v17  }
0x243: {  	s13 =	simm.s32 $0x20;
	v5 =	vld.idx.msk [tilespmem:v24+s23+$0x0], $0xffff;
	v4 =	vadd.f32 v4, v18;
	v18 =	vor.u32 $0xD, v17  }
0x244: {  	v54 =	vor.u32 $0xE, v17;
	v10 =	vld.idx.msk [tilespmem:v25+s23+$0x0], $0xffff;
	v3 =	vadd.f32 v3, v6;
	v6 =	vmov s13  }
0x245: {  	v8 =	vadd.f32 v8, v2;
	v2 =	vshll.u32 v6, $0x7;
	v7 =	vld.idx.msk [tilespmem:v7+s23+$0x0], $0xffff;
	v6 =	vor.u32 $0xF, v17  }
0x246: {  	v11 =	vadd.f32 v12, v11;
	v14 =	vld.idx.msk [tilespmem:v14+s23+$0x0], $0xffff;
	v4 =	vadd.f32 v4, v15;
	v2 =	vor.u32 v0, v2  }
0x247: {  	v3 =	vadd.f32 v8, v3;
	v8 =	vor.u32 $0x2, v2;
	v12 =	vld.idx.msk [tilespmem:v9+s23+$0x0], $0xffff  }
0x248: {  	v15 =	vor.u32 $0x4, v2;
	v4 =	vadd.f32 v4, v11;
	v17 =	vld.idx.msk [tilespmem:v18+s23+$0x0], $0xffff  }
0x249: {  	v11 =	vor.u32 $0x3, v2;
	v18 =	vld.idx.msk [tilespmem:v54+s23+$0x0], $0xffff  }
0x24a: {  	v58 =	vor.u32 $0x6, v2;
	v3 =	vadd.f32 v4, v3;
	v55 =	vld.idx.msk [tilespmem:v6+s23+$0x0], $0xffff  }
0x24b: {  	v9 =	vor.u32 $0x1, v2;
	v6 =	vld.idx.msk [tilespmem:v2+s23+$0x0], $0xffff  }
0x24c: {  	v56 =	vor.u32 $0x5, v2;
	v57 =	vadd.f32 v3, v1;
	v3 =	vld.idx.msk [tilespmem:v8+s23+$0x0], $0xffff  }
0x24d: {  	v19 =	vadd.f32 v19, v23;
	v60 =	vadd.f32 v5, v22;
	v59 =	vor.u32 $0x7, v2;
	v5 =	vld.idx.msk [tilespmem:v15+s23+$0x0], $0xffff  }
0x24e: {  	v20 =	vadd.f32 v21, v20;
	v61 =	vadd.f32 v53, v16;
	v4 =	vld.idx.msk [tilespmem:v11+s23+$0x0], $0xffff;
	v11 =	vor.u32 $0x8, v2  }
0x24f: {  	v10 =	vadd.f32 v13, v10;
	v13 =	vor.u32 $0x9, v2;
	v8 =	vld.idx.msk [tilespmem:v58+s23+$0x0], $0xffff;
	v62 =	vadd.f32 v12, v7  }
0x250: {  	v15 =	vor.u32 $0xA, v2;
	v9 =	vld.idx.msk [tilespmem:v9+s23+$0x0], $0xffff;
	v63 =	vadd.f32 v17, v14;
	v18 =	vadd.f32 v55, v18  }
0x251: {  	s3 =	simm.s32 $0x10580;
	v16 =	vor.u32 $0xB, v2;
	v7 =	vld.idx.msk [tilespmem:v56+s23+$0x0], $0xffff;
	v12 =	vadd.f32 v20, v19;
	v14 =	vadd.f32 v10, v60  }
0x252: {  	s4 =	simm.s32 $0x30;
	v19 =	vor.u32 $0xC, v2;
	[tilespmem:s3+$0x0] =	vst v57;
	v10 =	vld.idx.msk [tilespmem:v59+s23+$0x0], $0xffff;
	v17 =	vadd.f32 v62, v61;
	v18 =	vadd.f32 v18, v63  }
.LBB2_16:
0x253: {  	v20 =	vmov s4;
	p0 =	sne.s32 s4, $0x70;
	v21 =	vld.idx.msk [tilespmem:v11+s23+$0x0], $0xffff;
	v11 =	vor.u32 $0xD, v2  }
0x254: {  	v12 =	vadd.f32 v14, v12;
	v22 =	vld.idx.msk [tilespmem:v13+s23+$0x0], $0xffff;
	v13 =	vor.u32 $0xE, v2;
	v14 =	vadd.f32 v18, v17  }
0x255: {  	v17 =	vshll.u32 v20, $0x7;
	v18 =	vor.u32 $0xF, v2;
	v15 =	vld.idx.msk [tilespmem:v15+s23+$0x0], $0xffff  }
0x256: {  	v2 =	vor.u32 v0, v17;
	v16 =	vld.idx.msk [tilespmem:v16+s23+$0x0], $0xffff;
	v12 =	vadd.f32 v14, v12  }
0x257: {  	v14 =	vor.u32 $0x1, v2;
	v17 =	vld.idx.msk [tilespmem:v19+s23+$0x0], $0xffff  }
0x258: {  	v19 =	vor.u32 $0x2, v2;
	v20 =	vld.idx.msk [tilespmem:v11+s23+$0x0], $0xffff;
	v11 =	vadd.f32 v12, v1  }
0x259: {  	s3 =	sadd.s32 $0x10, s3;
	v12 =	vor.u32 $0x3, v2;
	v23 =	vld.idx.msk [tilespmem:v13+s23+$0x0], $0xffff  }
0x25a: {  	v13 =	vor.u32 $0x4, v2;
	v18 =	vld.idx.msk [tilespmem:v18+s23+$0x0], $0xffff;
	[tilespmem:s3+$0x0] =	vst v11  }
0x25b: {  	v25 =	vor.u32 $0x5, v2;
	v24 =	vld.idx.msk [tilespmem:v2+s23+$0x0], $0xffff  }
0x25c: {  	v26 =	vld.idx.msk [tilespmem:v14+s23+$0x0], $0xffff;
	v14 =	vor.u32 $0x6, v2  }
0x25d: {  	v6 =	vadd.f32 v9, v6;
	v9 =	vadd.f32 v4, v3;
	v27 =	vor.u32 $0x7, v2;
	v3 =	vld.idx.msk [tilespmem:v19+s23+$0x0], $0xffff  }
.Ltmp7:
0x25e: {  	v10 =	vadd.f32 v10, v8;
	v11 =	vor.u32 $0x8, v2;
	v19 =	vadd.f32 v7, v5;
	v4 =	vld.idx.msk [tilespmem:v12+s23+$0x0], $0xffff;
	(pc) =	sbr.rel @p0 .LBB2_16-.Ltmp7, $4  }
0x25f: {  	v21 =	vadd.f32 v22, v21;
	v22 =	vadd.f32 v16, v15;
	v5 =	vld.idx.msk [tilespmem:v13+s23+$0x0], $0xffff;
	v13 =	vor.u32 $0x9, v2  }
0x260: {  	v15 =	vor.u32 $0xA, v2;
	v20 =	vadd.f32 v20, v17;
	v18 =	vadd.f32 v18, v23;
	v7 =	vld.idx.msk [tilespmem:v25+s23+$0x0], $0xffff  }
0x261: {  	v16 =	vor.u32 $0xB, v2;
	v12 =	vadd.f32 v9, v6;
	v6 =	vmovc v24;
	v8 =	vld.idx.msk [tilespmem:v14+s23+$0x0], $0xffff;
	v14 =	vadd.f32 v10, v19  }
0x262: {  	s4 =	sadd.s32 $0x10, s4;
	v17 =	vadd.f32 v22, v21;
	v19 =	vor.u32 $0xC, v2;
	v18 =	vadd.f32 v18, v20;
	v9 =	vmovc v26;
	v10 =	vld.idx.msk [tilespmem:v27+s23+$0x0], $0xffff  }
0x263: {  	_ =	sdelay $0x3  }
0x264: {  	v11 =	vld.idx.msk [tilespmem:v11+s23+$0x0], $0xffff;
	v20 =	vor.u32 $0xD, v2  }
0x265: {  	v13 =	vld.idx.msk [tilespmem:v13+s23+$0x0], $0xffff;
	v21 =	vor.u32 $0xE, v2  }
0x266: {  	v15 =	vld.idx.msk [tilespmem:v15+s23+$0x0], $0xffff;
	v2 =	vor.u32 $0xF, v2  }
0x267: {  	v16 =	vld.idx.msk [tilespmem:v16+s23+$0x0], $0xffff  }
0x268: {  	v19 =	vld.idx.msk [tilespmem:v19+s23+$0x0], $0xffff  }
0x269: {  	v20 =	vld.idx.msk [tilespmem:v20+s23+$0x0], $0xffff  }
0x26a: {  	v21 =	vld.idx.msk [tilespmem:v21+s23+$0x0], $0xffff  }
0x26b: {  	v2 =	vld.idx.msk [tilespmem:v2+s23+$0x0], $0xffff;
	_ =	sdelay $0x1  }
0x26c: {  	v6 =	vadd.f32 v9, v6;
	v3 =	vadd.f32 v4, v3  }
0x26d: {  	v55 =	vadd.f32 v7, v5;
	v56 =	vadd.f32 v10, v8  }
0x26e: {  	v57 =	vadd.f32 v13, v11;
	v58 =	vadd.f32 v16, v15  }
0x26f: {  	v59 =	vadd.f32 v20, v19;
	v2 =	vadd.f32 v2, v21  }
0x270: {  	v3 =	vadd.f32 v3, v6;
	v4 =	vadd.f32 v56, v55  }
0x271: {  	v60 =	vadd.f32 v58, v57;
	v2 =	vadd.f32 v2, v59  }
0x272: {  	v61 =	vadd.f32 v14, v12;
	v62 =	vadd.f32 v18, v17  }
0x273: {  	v3 =	vadd.f32 v4, v3;
	v2 =	vadd.f32 v2, v60  }
0x274: {  	v63 =	vadd.f32 v62, v61  }
0x275: {  	v2 =	vadd.f32 v2, v3  }
0x276: {  	v3 =	vadd.f32 v63, v1  }
0x277: {  	s3 =	sadd.s32 $0x10, s3;
	s0 =	sadd.s32 $0x1, s0;
	v1 =	vadd.f32 v2, v1  }
0x278: {  	p0 =	sne.s32 s0, s10;
	[tilespmem:s3+$0x0] =	vst v3;
	s3 =	sadd.s32 $0x10, s3  }
.Ltmp8:
0x279: {  	[tilespmem:s3+$0x0] =	vst v1;
	(pc) =	sbr.rel @p0 .LBB2_1-.Ltmp8, $4  }
0x27a: {  	[hbm4b:s9+s6] =	stream.linear.scatter [tilespmem:s31], [sflag:$0x5], $0x200, $0x38;
	[tilespmem:$0x14700] =	vst v63  }
0x27b: {  	_ =	swait.ge [sflag:s11], $0x200  }
0x27c: {  	[sflag:s11] =	ssyncset.done $0x0  }
0x27d: {  	[sflag:s11] =	ssyncadd.s32 $0xFFFFFE00  }
0x27e: {  	_ =	sfence.sel $0x180000  }
0x27f: {  	[bflag:$0x0] =	sbarrier.arrive $0xFFFF  }
0x280: {  	_ =	strace $0x90000047  }
0x281: {  	s0 =	stileid.u32;
	[bflag:$0x2] =	sbarrier.arrive $0xFFFF  }
0x282: {  	p0 =	sne.s32 s0, $0x0;
	s0 =	rddreg [dreg:$0x7]  }
0x283: {  	s0 =	sadd.s32 @!p0 $0x100000, s0  }
0x284: {  	[sflag:s0] =	ssyncadd.tile.s32 @!p0 $0x1;
	_ =	shalt  }
.Lfunc_end2:
_tile_overlayer_lowered:
.L_overlay_start_2:
0x285: {  	(tag) =	ssettag $0x2  }
0x286: {  	s0 =	rddreg [dreg:$0x0];
	s2 =	stileid.u32  }
0x287: {  	s1 =	rddreg [dreg:$0x1];
	p0 =	sne.s32 s2, $0x0  }
0x288: {  	s3 =	rddreg [dreg:$0x2];
	[bflag:$0x3] =	sbarrier.arrive $0xFFFF;
	s2 =	simm.s32 @!p0 $0x1C05  }
0x289: {  	[timem:s3], [sflag:s2] =	dma.local @!p0 [hbm:s0], s1  }
0x28a: {  	s0 =	simm.s32 @!p0 $0x5  }
0x28b: {  	_ =	swait.ge @!p0 [sflag:s0], s1  }
0x28c: {  	s1 =	ssub.s32 @!p0 $0x0, s1;
	[sflag:s0] =	ssyncset.done @!p0 $0x0  }
0x28d: {  	[sflag:s0] =	ssyncadd.s32 @!p0 s1  }
0x28e: {  	[bflag:$0x3] =	sbarrier.arrive $0xFFFF  }
0x28f: {  	_ =	shalt  }

</sc_bundles>
